<compile_context>
chip_gen: v7x
topology: tpu7x:2x2x1
jax: 0.10.2.dev20260603
libtpu: 0.0.44.dev20260713+nightly
codegen_flags: <defaults>
</compile_context>

<pallas_src>
import functools

import jax
import jax.numpy as jnp
from jax import lax
from jax.experimental import pallas as pl
from jax.experimental.pallas import tpu as pltpu
from jax.experimental.pallas import tpu_sc as plsc

_N = 10000
_E = 320000
_D = 128
_NC = 2
_NS = 16
_NW = _NC * _NS
_CHUNK = 128
_CPW = 79
_EP = _CHUNK * _CPW * _NW
_PN = 10240
_RPT = _PN // _NS
_BN = 1024


def _seg_body(with_deg, z_hbm, src_hbm, dst_hbm, *rest):
    if with_deg:
        (p0_hbm, p1_hbm, d0_hbm, d1_hbm,
         src_v, dst_v, rows_v, ones_v, zvec_v, acc_s, dacc_s, sem) = rest
    else:
        (p0_hbm, p1_hbm,
         src_v, dst_v, rows_v, acc_s, sem) = rest

    cid = lax.axis_index("c")
    sid = lax.axis_index("s")
    wid = cid * _NS + sid

    zero16 = jnp.zeros((16,), jnp.float32)

    def _zrow(i, c):
        rows_v[i // 8, pl.ds((i % 8) * 16, 16)] = zero16
        return c
    lax.fori_loop(0, _CHUNK * 8, _zrow, 0)

    if with_deg:
        one16 = jnp.ones((16,), jnp.float32)

        def _ofill(i, c):
            ones_v[pl.ds(i * 16, 16)] = one16
            return c
        lax.fori_loop(0, _CHUNK // 16, _ofill, 0)

        def _zfill(i, c):
            zvec_v[pl.ds(i * 16, 16)] = zero16
            return c
        lax.fori_loop(0, _RPT // 16, _zfill, 0)

    base = sid * _RPT
    for k in range(_RPT // _CHUNK):
        pltpu.sync_copy(rows_v, acc_s.at[pl.ds(base + k * _CHUNK, _CHUNK)])
    if with_deg:
        pltpu.sync_copy(zvec_v, dacc_s.at[pl.ds(base, _RPT)])
    plsc.subcore_barrier()

    cbase = wid * _CPW

    def _ebody(j, c):
        off = (cbase + j) * _CHUNK
        pltpu.sync_copy(src_hbm.at[pl.ds(off, _CHUNK)], src_v)
        pltpu.sync_copy(dst_hbm.at[pl.ds(off, _CHUNK)], dst_v)
        pltpu.async_copy(z_hbm.at[src_v], rows_v, sem).wait()
        pltpu.sync_copy(rows_v, acc_s.at[dst_v], add=True)
        if with_deg:
            pltpu.sync_copy(ones_v, dacc_s.at[dst_v], add=True)
        return c
    lax.fori_loop(0, _CPW, _ebody, 0)
    plsc.subcore_barrier()

    @pl.when(cid == 0)
    def _():
        pltpu.sync_copy(acc_s.at[pl.ds(base, _RPT)], p0_hbm.at[pl.ds(base, _RPT)])
        if with_deg:
            pltpu.sync_copy(dacc_s.at[pl.ds(base, _RPT)], d0_hbm.at[pl.ds(base, _RPT)])

    @pl.when(cid == 1)
    def _():
        pltpu.sync_copy(acc_s.at[pl.ds(base, _RPT)], p1_hbm.at[pl.ds(base, _RPT)])
        if with_deg:
            pltpu.sync_copy(dacc_s.at[pl.ds(base, _RPT)], d1_hbm.at[pl.ds(base, _RPT)])


def _make_seg_sum(with_deg):
    mesh = plsc.VectorSubcoreMesh(
        core_axis_name="c", subcore_axis_name="s",
        num_cores=_NC, num_subcores=_NS)
    out_type = [jax.ShapeDtypeStruct((_PN, _D), jnp.float32)] * 2
    scratch = [
        pltpu.VMEM((_CHUNK,), jnp.int32),
        pltpu.VMEM((_CHUNK,), jnp.int32),
        pltpu.VMEM((_CHUNK, _D), jnp.float32),
    ]
    if with_deg:
        out_type += [jax.ShapeDtypeStruct((_PN,), jnp.float32)] * 2
        scratch += [
            pltpu.VMEM((_CHUNK,), jnp.float32),
            pltpu.VMEM((_RPT,), jnp.float32),
        ]
    scratch.append(pltpu.MemorySpace.VMEM_SHARED((_PN, _D), jnp.float32))
    if with_deg:
        scratch.append(pltpu.MemorySpace.VMEM_SHARED((_PN,), jnp.float32))
    scratch.append(pltpu.SemaphoreType.DMA)
    return pl.kernel(
        functools.partial(_seg_body, with_deg),
        out_type=tuple(out_type),
        mesh=mesh,
        scratch_types=tuple(scratch),
    )


_seg_sum_deg = _make_seg_sum(True)
_seg_sum = _make_seg_sum(False)

_DOT = (((1,), (1,)), ((), ()))


def _mm_first_body(x_ref, wl_ref, wr_ref, b_ref, z_ref, r_ref):
    x = x_ref[...]
    z_ref[...] = lax.dot_general(x, wl_ref[...], _DOT,
                                 preferred_element_type=jnp.float32)
    r_ref[...] = lax.dot_general(x, wr_ref[...], _DOT,
                                 preferred_element_type=jnp.float32) + b_ref[...]


def _mm_mid_body(p0_ref, p1_ref, d0_ref, d1_ref, r1_ref, wl_ref, wr_ref,
                 b_ref, z_ref, r_ref):
    invd = 1.0 / jnp.maximum(d0_ref[...] + d1_ref[...], 1.0)
    h = jnp.maximum((p0_ref[...] + p1_ref[...]) * invd + r1_ref[...], 0.0)
    z_ref[...] = lax.dot_general(h, wl_ref[...], _DOT,
                                 preferred_element_type=jnp.float32)
    r_ref[...] = lax.dot_general(h, wr_ref[...], _DOT,
                                 preferred_element_type=jnp.float32) + b_ref[...]


def _fin_body(q0_ref, q1_ref, d0_ref, d1_ref, r2_ref, o_ref):
    invd = 1.0 / jnp.maximum(d0_ref[...] + d1_ref[...], 1.0)
    o_ref[...] = (q0_ref[...] + q1_ref[...]) * invd + r2_ref[...]


_ROWS = pl.BlockSpec((_BN, _D), lambda i: (i, 0))
_COL = pl.BlockSpec((_BN, 1), lambda i: (i, 0))
_W = pl.BlockSpec((_D, _D), lambda i: (0, 0))
_B = pl.BlockSpec((1, _D), lambda i: (0, 0))
_GRID = _PN // _BN

_mm_first = pl.pallas_call(
    _mm_first_body,
    grid=(_GRID,),
    in_specs=[_ROWS, _W, _W, _B],
    out_specs=[_ROWS, _ROWS],
    out_shape=[jax.ShapeDtypeStruct((_PN, _D), jnp.float32)] * 2,
)

_mm_mid = pl.pallas_call(
    _mm_mid_body,
    grid=(_GRID,),
    in_specs=[_ROWS, _ROWS, _COL, _COL, _ROWS, _W, _W, _B],
    out_specs=[_ROWS, _ROWS],
    out_shape=[jax.ShapeDtypeStruct((_PN, _D), jnp.float32)] * 2,
)

_fin = pl.pallas_call(
    _fin_body,
    grid=(_GRID,),
    in_specs=[_ROWS, _ROWS, _COL, _COL, _ROWS],
    out_specs=_ROWS,
    out_shape=jax.ShapeDtypeStruct((_PN, _D), jnp.float32),
)


def kernel(features, edge_index, W1l, b1l, W1r, W2l, b2l, W2r):
    src = edge_index[0]
    dst = edge_index[1]
    pad = _EP - _E
    srcp = jnp.concatenate([src, jnp.zeros((pad,), jnp.int32)])
    dstp = jnp.concatenate([dst, jnp.full((pad,), _N, jnp.int32)])
    b1r = b1l.reshape(1, _D)
    b2r = b2l.reshape(1, _D)

    z1, r1 = _mm_first(features, W1l, W1r, b1r)
    p0, p1, d0, d1 = _seg_sum_deg(z1, srcp, dstp)
    d0c = d0.reshape(_PN, 1)
    d1c = d1.reshape(_PN, 1)
    z2, r2 = _mm_mid(p0, p1, d0c, d1c, r1, W2l, W2r, b2r)
    q0, q1 = _seg_sum(z2, srcp, dstp)
    out = _fin(q0, q1, d0c, d1c, r2)
    return out[:_N]

# --- scband reference (transcript-rebuilt; emitter-appended) ---
"""Pipeline reference for scband-graph-sage-30116310680318 (READ-ONLY COPY).

The authoritative reference and input builder live on the scoring server;
editing this copy changes nothing except your own understanding.
"""

import jax, jax.numpy as jnp
import numpy as np

N = 10000
E = 320000
D = 128
H = 128
C = 128


def setup_inputs(seed: int = 0) -> dict:
    key = jax.random.key(seed)
    ks = jax.random.split(key, 10)
    features = jax.random.normal(ks[0], (N, D), dtype=jnp.float32)
    edge_index = jax.random.randint(ks[1], (2, E), 0, N, dtype=jnp.int32)
    s1 = 1.0 / np.sqrt(D)
    s2 = 1.0 / np.sqrt(H)
    W1l = jax.random.uniform(ks[2], (H, D), jnp.float32, -s1, s1)
    b1l = jax.random.uniform(ks[3], (H,), jnp.float32, -s1, s1)
    W1r = jax.random.uniform(ks[4], (H, D), jnp.float32, -s1, s1)
    W2l = jax.random.uniform(ks[5], (C, H), jnp.float32, -s2, s2)
    b2l = jax.random.uniform(ks[6], (C,), jnp.float32, -s2, s2)
    W2r = jax.random.uniform(ks[7], (C, H), jnp.float32, -s2, s2)
    return {"features": features, "edge_index": edge_index,
            "W1l": W1l, "b1l": b1l, "W1r": W1r,
            "W2l": W2l, "b2l": b2l, "W2r": W2r}


def _sage_conv(x, edge_index, Wl, bl, Wr):
    # PyG-style SAGEConv with mean aggregation:
    # out = lin_l(mean_{j in N(i)} x_j) + lin_r(x_i)
    src = edge_index[0]
    dst = edge_index[1]
    msg = jnp.take(x, src, axis=0)                      # gather x_j over edges
    agg = jax.ops.segment_sum(msg, dst, num_segments=N)  # scatter-add by dst
    deg = jax.ops.segment_sum(jnp.ones((msg.shape[0],), x.dtype), dst, num_segments=N)
    mean = agg / jnp.clip(deg, 1.0)[:, None]
    return mean @ Wl.T + bl + x @ Wr.T


def reference(features, edge_index, W1l, b1l, W1r, W2l, b2l, W2r):
    # layer 1 + relu (dropout is identity in eval mode)
    h = _sage_conv(features, edge_index, W1l, b1l, W1r)
    h = jax.nn.relu(h)
    # final layer (no activation)
    h = _sage_conv(h, edge_index, W2l, b2l, W2r)
    return h

if __name__ == "__main__":
    import jax
    _d = setup_inputs()
    print(jax.jit(kernel)(*tuple(_d.values())))

</pallas_src>

<mosaic_0001>
#map = affine_map<(d0, d1) -> (0, 0)>
#map1 = affine_map<(d0, d1) -> (0)>
module attributes {stable_mosaic.version = 14 : i64} {
  func.func @_seg_body(%arg0: i32, %arg1: i32, %arg2: memref<10240x128xf32, #tpu.memory_space<hbm>>, %arg3: memref<323584xi32, #tpu.memory_space<hbm>>, %arg4: memref<323584xi32, #tpu.memory_space<hbm>>, %arg5: memref<10240x128xf32, #tpu.memory_space<hbm>>, %arg6: memref<10240x128xf32, #tpu.memory_space<hbm>>, %arg7: memref<10240xf32, #tpu.memory_space<hbm>>, %arg8: memref<10240xf32, #tpu.memory_space<hbm>>, %arg9: memref<128xi32, #tpu.memory_space<vmem>>, %arg10: memref<128xi32, #tpu.memory_space<vmem>>, %arg11: memref<128x128xf32, #tpu.memory_space<vmem>>, %arg12: memref<128xf32, #tpu.memory_space<vmem>>, %arg13: memref<640xf32, #tpu.memory_space<vmem>>, %arg14: memref<10240x128xf32, #tpu.memory_space<vmem_shared>>, %arg15: memref<10240xf32, #tpu.memory_space<vmem_shared>>, %arg16: memref<!tpu.dma_semaphore, #tpu.memory_space<semaphore_mem>>) attributes {dimension_semantics = [#tpu.dimension_semantics<core_parallel>, #tpu.dimension_semantics<subcore_parallel>], iteration_bounds = array<i64: 2, 16>, scalar_prefetch = 0 : i64, scratch_operands = 8 : i64, tpu.core_type = #tpu.core_type<sc_vector_subcore>, window_params = [{transform_indices = #map}, {transform_indices = #map1}, {transform_indices = #map1}, {transform_indices = #map}, {transform_indices = #map}, {transform_indices = #map1}, {transform_indices = #map1}]} {
    %mul3A = arith.constant 16 : i32
    %mul3A_0 = arith.muli %arg0, %mul3A : i32
    %add3A = arith.addi %mul3A_0, %arg1 : i32
    %broadcast_in_dim3A = arith.constant 0.000000e+00 : f32
    %broadcast_in_dim3A_1 = vector.broadcast %broadcast_in_dim3A : f32 to vector<16xf32>
    %scan3A = arith.constant 0 : i32
    %scan3A_2 = arith.constant 0 : i32
    %scan3A_3 = arith.constant 1024 : i32
    %scan3A_4 = arith.addi %scan3A_2, %scan3A_3 : i32
    %scan3A_5 = arith.constant 1 : i32
    scf.for %scan3A_49 = %scan3A_2 to %scan3A_4 step %scan3A_5  : i32 {
      %jit3A = arith.constant 8 : i32
      %div3A = arith.divsi %scan3A_49, %jit3A : i32
      %sign3A = arith.constant 0 : i32
      %sign3A_50 = arith.cmpi sgt, %scan3A_49, %sign3A : i32
      %sign3A_51 = arith.extui %sign3A_50 : i1 to i32
      %sign3A_52 = arith.constant 0 : i32
      %sign3A_53 = arith.cmpi slt, %scan3A_49, %sign3A_52 : i32
      %sign3A_54 = arith.extui %sign3A_53 : i1 to i32
      %sign3A_55 = arith.subi %sign3A_51, %sign3A_54 : i32
      %sign3A_56 = arith.constant 0 : i32
      %sign3A_57 = arith.cmpi sgt, %jit3A, %sign3A_56 : i32
      %sign3A_58 = arith.extui %sign3A_57 : i1 to i32
      %sign3A_59 = arith.constant 0 : i32
      %sign3A_60 = arith.cmpi slt, %jit3A, %sign3A_59 : i32
      %sign3A_61 = arith.extui %sign3A_60 : i1 to i32
      %sign3A_62 = arith.subi %sign3A_58, %sign3A_61 : i32
      %ne3A = arith.cmpi ne, %sign3A_55, %sign3A_62 : i32
      %rem3A = arith.remsi %scan3A_49, %jit3A : i32
      %ne3A_63 = arith.constant 0 : i32
      %ne3A_64 = arith.cmpi ne, %rem3A, %ne3A_63 : i32
      %and3A = arith.andi %ne3A, %ne3A_64 : i1
      %sub3A = arith.constant 1 : i32
      %sub3A_65 = arith.subi %div3A, %sub3A : i32
      %select_n3A = arith.select %and3A, %sub3A_65, %div3A : i32
      %jit3A_66 = arith.constant 8 : i32
      %eq3A_67 = arith.constant 0 : i32
      %eq3A_68 = arith.cmpi eq, %jit3A_66, %eq3A_67 : i32
      %jit3A_69 = arith.constant 1 : i32
      %select_n3A_70 = arith.select %eq3A_68, %jit3A_69, %jit3A_66 : i32
      %rem3A_71 = arith.remsi %scan3A_49, %select_n3A_70 : i32
      %ne3A_72 = arith.constant 0 : i32
      %ne3A_73 = arith.cmpi ne, %rem3A_71, %ne3A_72 : i32
      %lt3A = arith.constant 0 : i32
      %lt3A_74 = arith.cmpi slt, %rem3A_71, %lt3A : i32
      %lt3A_75 = arith.constant 0 : i32
      %lt3A_76 = arith.cmpi slt, %select_n3A_70, %lt3A_75 : i32
      %ne3A_77 = arith.xori %lt3A_74, %lt3A_76 : i1
      %and3A_78 = arith.andi %ne3A_77, %ne3A_73 : i1
      %add3A_79 = arith.addi %rem3A_71, %select_n3A_70 : i32
      %select_n3A_80 = arith.select %and3A_78, %add3A_79, %rem3A_71 : i32
      %mul3A_81 = arith.constant 16 : i32
      %mul3A_82 = arith.muli %select_n3A_80, %mul3A_81 : i32
      %swap3A = arith.index_cast %select_n3A : i32 to index
      %swap3A_83 = arith.index_cast %mul3A_82 : i32 to index
      %swap3A_84 = tpu.vector_load %arg11[%swap3A, %swap3A_83] {strides = array<i32>} : memref<128x128xf32, #tpu.memory_space<vmem>>, vector<1x16xf32>,
      %swap3A_85 = vector.shape_cast %swap3A_84 : vector<1x16xf32> to vector<16xf32>
      %swap3A_86 = vector.shape_cast %broadcast_in_dim3A_1 : vector<16xf32> to vector<1x16xf32>
      tpu.vector_store %arg11[%swap3A, %swap3A_83], %swap3A_86 {strides = array<i32>} : memref<128x128xf32, #tpu.memory_space<vmem>>, vector<1x16xf32>,
    }
    %scan3A_6 = arith.constant 1024 : i32
    %broadcast_in_dim3A_7 = arith.constant 1.000000e+00 : f32
    %broadcast_in_dim3A_8 = vector.broadcast %broadcast_in_dim3A_7 : f32 to vector<16xf32>
    %scan3A_9 = arith.constant 0 : i32
    %scan3A_10 = arith.constant 0 : i32
    %scan3A_11 = arith.constant 8 : i32
    %scan3A_12 = arith.addi %scan3A_10, %scan3A_11 : i32
    %scan3A_13 = arith.constant 1 : i32
    scf.for %scan3A_49 = %scan3A_10 to %scan3A_12 step %scan3A_13  : i32 {
      %mul3A_50 = arith.constant 16 : i32
      %mul3A_51 = arith.muli %scan3A_49, %mul3A_50 : i32
      %swap3A = arith.index_cast %mul3A_51 : i32 to index
      %swap3A_52 = tpu.vector_load %arg12[%swap3A] {strides = array<i32>} : memref<128xf32, #tpu.memory_space<vmem>>, vector<16xf32>,
      %swap3A_53 = vector.shape_cast %swap3A_52 : vector<16xf32> to vector<16xf32>
      %swap3A_54 = vector.shape_cast %broadcast_in_dim3A_8 : vector<16xf32> to vector<16xf32>
      tpu.vector_store %arg12[%swap3A], %swap3A_54 {strides = array<i32>} : memref<128xf32, #tpu.memory_space<vmem>>, vector<16xf32>,
    }
    %scan3A_14 = arith.constant 8 : i32
    %scan3A_15 = arith.constant 0 : i32
    %scan3A_16 = arith.constant 0 : i32
    %scan3A_17 = arith.constant 40 : i32
    %scan3A_18 = arith.addi %scan3A_16, %scan3A_17 : i32
    %scan3A_19 = arith.constant 1 : i32
    scf.for %scan3A_49 = %scan3A_16 to %scan3A_18 step %scan3A_19  : i32 {
      %mul3A_50 = arith.constant 16 : i32
      %mul3A_51 = arith.muli %scan3A_49, %mul3A_50 : i32
      %swap3A = arith.index_cast %mul3A_51 : i32 to index
      %swap3A_52 = tpu.vector_load %arg13[%swap3A] {strides = array<i32>} : memref<640xf32, #tpu.memory_space<vmem>>, vector<16xf32>,
      %swap3A_53 = vector.shape_cast %swap3A_52 : vector<16xf32> to vector<16xf32>
      %swap3A_54 = vector.shape_cast %broadcast_in_dim3A_1 : vector<16xf32> to vector<16xf32>
      tpu.vector_store %arg13[%swap3A], %swap3A_54 {strides = array<i32>} : memref<640xf32, #tpu.memory_space<vmem>>, vector<16xf32>,
    }
    %scan3A_20 = arith.constant 40 : i32
    %mul3A_21 = arith.constant 640 : i32
    %mul3A_22 = arith.muli %arg1, %mul3A_21 : i32
    %add3A_23 = arith.constant 0 : i32
    %add3A_24 = arith.addi %mul3A_22, %add3A_23 : i32
    "tpu.region"() ({
      %run_scoped3A = tpu.sem_alloc : memref<!tpu.dma_semaphore, #tpu.memory_space<semaphore_mem>>
      %dma_start3A = arith.constant 0 : i32
      %dma_start3A_49 = tpu.memref_slice %arg14[%add3A_24, %dma_start3A] : memref<10240x128xf32, #tpu.memory_space<vmem_shared>> -> memref<128x128xf32, #tpu.memory_space<vmem_shared>>
      %dma_start3A_50 = arith.constant 0 : i32
      %dma_start3A_51 = tpu.memref_slice %arg14[%add3A_24, %dma_start3A_50] : memref<10240x128xf32, #tpu.memory_space<vmem_shared>> -> memref<128x128xf32, #tpu.memory_space<vmem_shared>>
      tpu.enqueue_dma source(%arg11 : memref<128x128xf32, #tpu.memory_space<vmem>>) target(%dma_start3A_51 : memref<128x128xf32, #tpu.memory_space<vmem_shared>>) target_semaphore(%run_scoped3A : memref<!tpu.dma_semaphore, #tpu.memory_space<semaphore_mem>>)
      %dma_wait3A = arith.constant 0 : i32
      %dma_wait3A_52 = tpu.memref_slice %arg14[%add3A_24, %dma_wait3A] : memref<10240x128xf32, #tpu.memory_space<vmem_shared>> -> memref<128x128xf32, #tpu.memory_space<vmem_shared>>
      %dma_wait3A_53 = arith.constant 0 : i32
      %dma_wait3A_54 = tpu.memref_slice %arg14[%add3A_24, %dma_wait3A_53] : memref<10240x128xf32, #tpu.memory_space<vmem_shared>> -> memref<128x128xf32, #tpu.memory_space<vmem_shared>>
      tpu.wait_dma2 semaphore(%run_scoped3A : memref<!tpu.dma_semaphore, #tpu.memory_space<semaphore_mem>>) src(%arg11 : memref<128x128xf32, #tpu.memory_space<vmem>>) dst(%dma_wait3A_54 : memref<128x128xf32, #tpu.memory_space<vmem_shared>>)
      tpu.yield
    }) : () -> ()
    %add3A_25 = arith.constant 128 : i32
    %add3A_26 = arith.addi %mul3A_22, %add3A_25 : i32
    "tpu.region"() ({
      %run_scoped3A = tpu.sem_alloc : memref<!tpu.dma_semaphore, #tpu.memory_space<semaphore_mem>>
      %dma_start3A = arith.constant 0 : i32
      %dma_start3A_49 = tpu.memref_slice %arg14[%add3A_26, %dma_start3A] : memref<10240x128xf32, #tpu.memory_space<vmem_shared>> -> memref<128x128xf32, #tpu.memory_space<vmem_shared>>
      %dma_start3A_50 = arith.constant 0 : i32
      %dma_start3A_51 = tpu.memref_slice %arg14[%add3A_26, %dma_start3A_50] : memref<10240x128xf32, #tpu.memory_space<vmem_shared>> -> memref<128x128xf32, #tpu.memory_space<vmem_shared>>
      tpu.enqueue_dma source(%arg11 : memref<128x128xf32, #tpu.memory_space<vmem>>) target(%dma_start3A_51 : memref<128x128xf32, #tpu.memory_space<vmem_shared>>) target_semaphore(%run_scoped3A : memref<!tpu.dma_semaphore, #tpu.memory_space<semaphore_mem>>)
      %dma_wait3A = arith.constant 0 : i32
      %dma_wait3A_52 = tpu.memref_slice %arg14[%add3A_26, %dma_wait3A] : memref<10240x128xf32, #tpu.memory_space<vmem_shared>> -> memref<128x128xf32, #tpu.memory_space<vmem_shared>>
      %dma_wait3A_53 = arith.constant 0 : i32
      %dma_wait3A_54 = tpu.memref_slice %arg14[%add3A_26, %dma_wait3A_53] : memref<10240x128xf32, #tpu.memory_space<vmem_shared>> -> memref<128x128xf32, #tpu.memory_space<vmem_shared>>
      tpu.wait_dma2 semaphore(%run_scoped3A : memref<!tpu.dma_semaphore, #tpu.memory_space<semaphore_mem>>) src(%arg11 : memref<128x128xf32, #tpu.memory_space<vmem>>) dst(%dma_wait3A_54 : memref<128x128xf32, #tpu.memory_space<vmem_shared>>)
      tpu.yield
    }) : () -> ()
    %add3A_27 = arith.constant 256 : i32
    %add3A_28 = arith.addi %mul3A_22, %add3A_27 : i32
    "tpu.region"() ({
      %run_scoped3A = tpu.sem_alloc : memref<!tpu.dma_semaphore, #tpu.memory_space<semaphore_mem>>
      %dma_start3A = arith.constant 0 : i32
      %dma_start3A_49 = tpu.memref_slice %arg14[%add3A_28, %dma_start3A] : memref<10240x128xf32, #tpu.memory_space<vmem_shared>> -> memref<128x128xf32, #tpu.memory_space<vmem_shared>>
      %dma_start3A_50 = arith.constant 0 : i32
      %dma_start3A_51 = tpu.memref_slice %arg14[%add3A_28, %dma_start3A_50] : memref<10240x128xf32, #tpu.memory_space<vmem_shared>> -> memref<128x128xf32, #tpu.memory_space<vmem_shared>>
      tpu.enqueue_dma source(%arg11 : memref<128x128xf32, #tpu.memory_space<vmem>>) target(%dma_start3A_51 : memref<128x128xf32, #tpu.memory_space<vmem_shared>>) target_semaphore(%run_scoped3A : memref<!tpu.dma_semaphore, #tpu.memory_space<semaphore_mem>>)
      %dma_wait3A = arith.constant 0 : i32
      %dma_wait3A_52 = tpu.memref_slice %arg14[%add3A_28, %dma_wait3A] : memref<10240x128xf32, #tpu.memory_space<vmem_shared>> -> memref<128x128xf32, #tpu.memory_space<vmem_shared>>
      %dma_wait3A_53 = arith.constant 0 : i32
      %dma_wait3A_54 = tpu.memref_slice %arg14[%add3A_28, %dma_wait3A_53] : memref<10240x128xf32, #tpu.memory_space<vmem_shared>> -> memref<128x128xf32, #tpu.memory_space<vmem_shared>>
      tpu.wait_dma2 semaphore(%run_scoped3A : memref<!tpu.dma_semaphore, #tpu.memory_space<semaphore_mem>>) src(%arg11 : memref<128x128xf32, #tpu.memory_space<vmem>>) dst(%dma_wait3A_54 : memref<128x128xf32, #tpu.memory_space<vmem_shared>>)
      tpu.yield
    }) : () -> ()
    %add3A_29 = arith.constant 384 : i32
    %add3A_30 = arith.addi %mul3A_22, %add3A_29 : i32
    "tpu.region"() ({
      %run_scoped3A = tpu.sem_alloc : memref<!tpu.dma_semaphore, #tpu.memory_space<semaphore_mem>>
      %dma_start3A = arith.constant 0 : i32
      %dma_start3A_49 = tpu.memref_slice %arg14[%add3A_30, %dma_start3A] : memref<10240x128xf32, #tpu.memory_space<vmem_shared>> -> memref<128x128xf32, #tpu.memory_space<vmem_shared>>
      %dma_start3A_50 = arith.constant 0 : i32
      %dma_start3A_51 = tpu.memref_slice %arg14[%add3A_30, %dma_start3A_50] : memref<10240x128xf32, #tpu.memory_space<vmem_shared>> -> memref<128x128xf32, #tpu.memory_space<vmem_shared>>
      tpu.enqueue_dma source(%arg11 : memref<128x128xf32, #tpu.memory_space<vmem>>) target(%dma_start3A_51 : memref<128x128xf32, #tpu.memory_space<vmem_shared>>) target_semaphore(%run_scoped3A : memref<!tpu.dma_semaphore, #tpu.memory_space<semaphore_mem>>)
      %dma_wait3A = arith.constant 0 : i32
      %dma_wait3A_52 = tpu.memref_slice %arg14[%add3A_30, %dma_wait3A] : memref<10240x128xf32, #tpu.memory_space<vmem_shared>> -> memref<128x128xf32, #tpu.memory_space<vmem_shared>>
      %dma_wait3A_53 = arith.constant 0 : i32
      %dma_wait3A_54 = tpu.memref_slice %arg14[%add3A_30, %dma_wait3A_53] : memref<10240x128xf32, #tpu.memory_space<vmem_shared>> -> memref<128x128xf32, #tpu.memory_space<vmem_shared>>
      tpu.wait_dma2 semaphore(%run_scoped3A : memref<!tpu.dma_semaphore, #tpu.memory_space<semaphore_mem>>) src(%arg11 : memref<128x128xf32, #tpu.memory_space<vmem>>) dst(%dma_wait3A_54 : memref<128x128xf32, #tpu.memory_space<vmem_shared>>)
      tpu.yield
    }) : () -> ()
    %add3A_31 = arith.constant 512 : i32
    %add3A_32 = arith.addi %mul3A_22, %add3A_31 : i32
    "tpu.region"() ({
      %run_scoped3A = tpu.sem_alloc : memref<!tpu.dma_semaphore, #tpu.memory_space<semaphore_mem>>
      %dma_start3A = arith.constant 0 : i32
      %dma_start3A_49 = tpu.memref_slice %arg14[%add3A_32, %dma_start3A] : memref<10240x128xf32, #tpu.memory_space<vmem_shared>> -> memref<128x128xf32, #tpu.memory_space<vmem_shared>>
      %dma_start3A_50 = arith.constant 0 : i32
      %dma_start3A_51 = tpu.memref_slice %arg14[%add3A_32, %dma_start3A_50] : memref<10240x128xf32, #tpu.memory_space<vmem_shared>> -> memref<128x128xf32, #tpu.memory_space<vmem_shared>>
      tpu.enqueue_dma source(%arg11 : memref<128x128xf32, #tpu.memory_space<vmem>>) target(%dma_start3A_51 : memref<128x128xf32, #tpu.memory_space<vmem_shared>>) target_semaphore(%run_scoped3A : memref<!tpu.dma_semaphore, #tpu.memory_space<semaphore_mem>>)
      %dma_wait3A = arith.constant 0 : i32
      %dma_wait3A_52 = tpu.memref_slice %arg14[%add3A_32, %dma_wait3A] : memref<10240x128xf32, #tpu.memory_space<vmem_shared>> -> memref<128x128xf32, #tpu.memory_space<vmem_shared>>
      %dma_wait3A_53 = arith.constant 0 : i32
      %dma_wait3A_54 = tpu.memref_slice %arg14[%add3A_32, %dma_wait3A_53] : memref<10240x128xf32, #tpu.memory_space<vmem_shared>> -> memref<128x128xf32, #tpu.memory_space<vmem_shared>>
      tpu.wait_dma2 semaphore(%run_scoped3A : memref<!tpu.dma_semaphore, #tpu.memory_space<semaphore_mem>>) src(%arg11 : memref<128x128xf32, #tpu.memory_space<vmem>>) dst(%dma_wait3A_54 : memref<128x128xf32, #tpu.memory_space<vmem_shared>>)
      tpu.yield
    }) : () -> ()
    "tpu.region"() ({
      %run_scoped3A = tpu.sem_alloc : memref<!tpu.dma_semaphore, #tpu.memory_space<semaphore_mem>>
      %dma_start3A = tpu.memref_slice %arg15[%mul3A_22] : memref<10240xf32, #tpu.memory_space<vmem_shared>> -> memref<640xf32, #tpu.memory_space<vmem_shared>>
      %dma_start3A_49 = tpu.memref_slice %arg15[%mul3A_22] : memref<10240xf32, #tpu.memory_space<vmem_shared>> -> memref<640xf32, #tpu.memory_space<vmem_shared>>
      tpu.enqueue_dma source(%arg13 : memref<640xf32, #tpu.memory_space<vmem>>) target(%dma_start3A_49 : memref<640xf32, #tpu.memory_space<vmem_shared>>) target_semaphore(%run_scoped3A : memref<!tpu.dma_semaphore, #tpu.memory_space<semaphore_mem>>)
      %dma_wait3A = tpu.memref_slice %arg15[%mul3A_22] : memref<10240xf32, #tpu.memory_space<vmem_shared>> -> memref<640xf32, #tpu.memory_space<vmem_shared>>
      %dma_wait3A_50 = tpu.memref_slice %arg15[%mul3A_22] : memref<10240xf32, #tpu.memory_space<vmem_shared>> -> memref<640xf32, #tpu.memory_space<vmem_shared>>
      tpu.wait_dma2 semaphore(%run_scoped3A : memref<!tpu.dma_semaphore, #tpu.memory_space<semaphore_mem>>) src(%arg13 : memref<640xf32, #tpu.memory_space<vmem>>) dst(%dma_wait3A_50 : memref<640xf32, #tpu.memory_space<vmem_shared>>)
      tpu.yield
    }) : () -> ()
    %barrier3A = arith.constant 0 : index
    tpu.barrier barrier_id(%barrier3A)
    %mul3A_33 = arith.constant 79 : i32
    %mul3A_34 = arith.muli %add3A, %mul3A_33 : i32
    %scan3A_35 = arith.constant 0 : i32
    %scan3A_36 = arith.constant 0 : i32
    %scan3A_37 = arith.constant 79 : i32
    %scan3A_38 = arith.addi %scan3A_36, %scan3A_37 : i32
    %scan3A_39 = arith.constant 1 : i32
    scf.for %scan3A_49 = %scan3A_36 to %scan3A_38 step %scan3A_39  : i32 {
      %add3A_50 = arith.addi %mul3A_34, %scan3A_49 : i32
      %mul3A_51 = arith.constant 128 : i32
      %mul3A_52 = arith.muli %add3A_50, %mul3A_51 : i32
      "tpu.region"() ({
        %run_scoped3A = tpu.sem_alloc : memref<!tpu.dma_semaphore, #tpu.memory_space<semaphore_mem>>
        %dma_start3A_57 = tpu.memref_slice %arg3[%mul3A_52] : memref<323584xi32, #tpu.memory_space<hbm>> -> memref<128xi32, #tpu.memory_space<hbm>>
        %dma_start3A_58 = tpu.memref_slice %arg3[%mul3A_52] : memref<323584xi32, #tpu.memory_space<hbm>> -> memref<128xi32, #tpu.memory_space<hbm>>
        tpu.enqueue_dma source(%dma_start3A_58 : memref<128xi32, #tpu.memory_space<hbm>>) target(%arg9 : memref<128xi32, #tpu.memory_space<vmem>>) target_semaphore(%run_scoped3A : memref<!tpu.dma_semaphore, #tpu.memory_space<semaphore_mem>>)
        %dma_wait3A_59 = tpu.memref_slice %arg3[%mul3A_52] : memref<323584xi32, #tpu.memory_space<hbm>> -> memref<128xi32, #tpu.memory_space<hbm>>
        %dma_wait3A_60 = tpu.memref_slice %arg3[%mul3A_52] : memref<323584xi32, #tpu.memory_space<hbm>> -> memref<128xi32, #tpu.memory_space<hbm>>
        tpu.wait_dma2 semaphore(%run_scoped3A : memref<!tpu.dma_semaphore, #tpu.memory_space<semaphore_mem>>) src(%dma_wait3A_60 : memref<128xi32, #tpu.memory_space<hbm>>) dst(%arg9 : memref<128xi32, #tpu.memory_space<vmem>>)
        tpu.yield
      }) : () -> ()
      "tpu.region"() ({
        %run_scoped3A = tpu.sem_alloc : memref<!tpu.dma_semaphore, #tpu.memory_space<semaphore_mem>>
        %dma_start3A_57 = tpu.memref_slice %arg4[%mul3A_52] : memref<323584xi32, #tpu.memory_space<hbm>> -> memref<128xi32, #tpu.memory_space<hbm>>
        %dma_start3A_58 = tpu.memref_slice %arg4[%mul3A_52] : memref<323584xi32, #tpu.memory_space<hbm>> -> memref<128xi32, #tpu.memory_space<hbm>>
        tpu.enqueue_dma source(%dma_start3A_58 : memref<128xi32, #tpu.memory_space<hbm>>) target(%arg10 : memref<128xi32, #tpu.memory_space<vmem>>) target_semaphore(%run_scoped3A : memref<!tpu.dma_semaphore, #tpu.memory_space<semaphore_mem>>)
        %dma_wait3A_59 = tpu.memref_slice %arg4[%mul3A_52] : memref<323584xi32, #tpu.memory_space<hbm>> -> memref<128xi32, #tpu.memory_space<hbm>>
        %dma_wait3A_60 = tpu.memref_slice %arg4[%mul3A_52] : memref<323584xi32, #tpu.memory_space<hbm>> -> memref<128xi32, #tpu.memory_space<hbm>>
        tpu.wait_dma2 semaphore(%run_scoped3A : memref<!tpu.dma_semaphore, #tpu.memory_space<semaphore_mem>>) src(%dma_wait3A_60 : memref<128xi32, #tpu.memory_space<hbm>>) dst(%arg10 : memref<128xi32, #tpu.memory_space<vmem>>)
        tpu.yield
      }) : () -> ()
      %dma_start3A = arith.constant 0 : i32
      %dma_start3A_53 = arith.constant 0 : i32
      %dma_start3A_54 = tpu.memref_slice %arg2[%dma_start3A, %dma_start3A_53] : memref<10240x128xf32, #tpu.memory_space<hbm>> -> memref<10240x128xf32, #tpu.memory_space<hbm>>
      tpu.enqueue_indirect_dma source(%dma_start3A_54 : memref<10240x128xf32, #tpu.memory_space<hbm>>) target(%arg11 : memref<128x128xf32, #tpu.memory_space<vmem>>) offsets(%arg9 : memref<128xi32, #tpu.memory_space<vmem>>) semaphore(%arg16 : memref<!tpu.dma_semaphore, #tpu.memory_space<semaphore_mem>>)
      %dma_wait3A = arith.constant 0 : i32
      %dma_wait3A_55 = arith.constant 0 : i32
      %dma_wait3A_56 = tpu.memref_slice %arg2[%dma_wait3A, %dma_wait3A_55] : memref<10240x128xf32, #tpu.memory_space<hbm>> -> memref<10240x128xf32, #tpu.memory_space<hbm>>
      tpu.wait_indirect_dma semaphore(%arg16 : memref<!tpu.dma_semaphore, #tpu.memory_space<semaphore_mem>>) src(%dma_wait3A_56 : memref<10240x128xf32, #tpu.memory_space<hbm>>) dst(%arg11 : memref<128x128xf32, #tpu.memory_space<vmem>>)
      "tpu.region"() ({
        %run_scoped3A = tpu.sem_alloc : memref<!tpu.dma_semaphore, #tpu.memory_space<semaphore_mem>>
        %dma_start3A_57 = arith.constant 0 : i32
        %dma_start3A_58 = arith.constant 0 : i32
        %dma_start3A_59 = tpu.memref_slice %arg14[%dma_start3A_57, %dma_start3A_58] : memref<10240x128xf32, #tpu.memory_space<vmem_shared>> -> memref<10240x128xf32, #tpu.memory_space<vmem_shared>>
        tpu.enqueue_indirect_dma source(%arg11 : memref<128x128xf32, #tpu.memory_space<vmem>>) target(%dma_start3A_59 : memref<10240x128xf32, #tpu.memory_space<vmem_shared>>) offsets(%arg10 : memref<128xi32, #tpu.memory_space<vmem>>) semaphore(%run_scoped3A : memref<!tpu.dma_semaphore, #tpu.memory_space<semaphore_mem>>) {add = true}
        %dma_wait3A_60 = arith.constant 0 : i32
        %dma_wait3A_61 = arith.constant 0 : i32
        %dma_wait3A_62 = tpu.memref_slice %arg14[%dma_wait3A_60, %dma_wait3A_61] : memref<10240x128xf32, #tpu.memory_space<vmem_shared>> -> memref<10240x128xf32, #tpu.memory_space<vmem_shared>>
        tpu.wait_indirect_dma semaphore(%run_scoped3A : memref<!tpu.dma_semaphore, #tpu.memory_space<semaphore_mem>>) src(%arg11 : memref<128x128xf32, #tpu.memory_space<vmem>>) dst(%dma_wait3A_62 : memref<10240x128xf32, #tpu.memory_space<vmem_shared>>)
        tpu.yield
      }) : () -> ()
      "tpu.region"() ({
        %run_scoped3A = tpu.sem_alloc : memref<!tpu.dma_semaphore, #tpu.memory_space<semaphore_mem>>
        %dma_start3A_57 = arith.constant 0 : i32
        %dma_start3A_58 = tpu.memref_slice %arg15[%dma_start3A_57] : memref<10240xf32, #tpu.memory_space<vmem_shared>> -> memref<10240xf32, #tpu.memory_space<vmem_shared>>
        tpu.enqueue_indirect_dma source(%arg12 : memref<128xf32, #tpu.memory_space<vmem>>) target(%dma_start3A_58 : memref<10240xf32, #tpu.memory_space<vmem_shared>>) offsets(%arg10 : memref<128xi32, #tpu.memory_space<vmem>>) semaphore(%run_scoped3A : memref<!tpu.dma_semaphore, #tpu.memory_space<semaphore_mem>>) {add = true}
        %dma_wait3A_59 = arith.constant 0 : i32
        %dma_wait3A_60 = tpu.memref_slice %arg15[%dma_wait3A_59] : memref<10240xf32, #tpu.memory_space<vmem_shared>> -> memref<10240xf32, #tpu.memory_space<vmem_shared>>
        tpu.wait_indirect_dma semaphore(%run_scoped3A : memref<!tpu.dma_semaphore, #tpu.memory_space<semaphore_mem>>) src(%arg12 : memref<128xf32, #tpu.memory_space<vmem>>) dst(%dma_wait3A_60 : memref<10240xf32, #tpu.memory_space<vmem_shared>>)
        tpu.yield
      }) : () -> ()
    }
    %scan3A_40 = arith.constant 79 : i32
    %barrier3A_41 = arith.constant 0 : index
    tpu.barrier barrier_id(%barrier3A_41)
    %eq3A = arith.constant 0 : i32
    %eq3A_42 = arith.cmpi eq, %arg0, %eq3A : i32
    %convert_element_type3A = arith.extui %eq3A_42 : i1 to i32
    %cond3A = arith.constant 0 : i32
    %cond3A_43 = arith.cmpi ne, %convert_element_type3A, %cond3A : i32
    scf.if %cond3A_43 {
      "tpu.region"() ({
        %run_scoped3A = tpu.sem_alloc : memref<!tpu.dma_semaphore, #tpu.memory_space<semaphore_mem>>
        %dma_start3A = arith.constant 0 : i32
        %dma_start3A_49 = tpu.memref_slice %arg5[%mul3A_22, %dma_start3A] : memref<10240x128xf32, #tpu.memory_space<hbm>> -> memref<640x128xf32, #tpu.memory_space<hbm>>
        %dma_start3A_50 = arith.constant 0 : i32
        %dma_start3A_51 = tpu.memref_slice %arg14[%mul3A_22, %dma_start3A_50] : memref<10240x128xf32, #tpu.memory_space<vmem_shared>> -> memref<640x128xf32, #tpu.memory_space<vmem_shared>>
        tpu.enqueue_dma source(%dma_start3A_51 : memref<640x128xf32, #tpu.memory_space<vmem_shared>>) target(%dma_start3A_49 : memref<640x128xf32, #tpu.memory_space<hbm>>) target_semaphore(%run_scoped3A : memref<!tpu.dma_semaphore, #tpu.memory_space<semaphore_mem>>)
        %dma_wait3A = arith.constant 0 : i32
        %dma_wait3A_52 = tpu.memref_slice %arg5[%mul3A_22, %dma_wait3A] : memref<10240x128xf32, #tpu.memory_space<hbm>> -> memref<640x128xf32, #tpu.memory_space<hbm>>
        %dma_wait3A_53 = arith.constant 0 : i32
        %dma_wait3A_54 = tpu.memref_slice %arg14[%mul3A_22, %dma_wait3A_53] : memref<10240x128xf32, #tpu.memory_space<vmem_shared>> -> memref<640x128xf32, #tpu.memory_space<vmem_shared>>
        tpu.wait_dma2 semaphore(%run_scoped3A : memref<!tpu.dma_semaphore, #tpu.memory_space<semaphore_mem>>) src(%dma_wait3A_54 : memref<640x128xf32, #tpu.memory_space<vmem_shared>>) dst(%dma_wait3A_52 : memref<640x128xf32, #tpu.memory_space<hbm>>)
        tpu.yield
      }) : () -> ()
      "tpu.region"() ({
        %run_scoped3A = tpu.sem_alloc : memref<!tpu.dma_semaphore, #tpu.memory_space<semaphore_mem>>
        %dma_start3A = tpu.memref_slice %arg7[%mul3A_22] : memref<10240xf32, #tpu.memory_space<hbm>> -> memref<640xf32, #tpu.memory_space<hbm>>
        %dma_start3A_49 = tpu.memref_slice %arg15[%mul3A_22] : memref<10240xf32, #tpu.memory_space<vmem_shared>> -> memref<640xf32, #tpu.memory_space<vmem_shared>>
        tpu.enqueue_dma source(%dma_start3A_49 : memref<640xf32, #tpu.memory_space<vmem_shared>>) target(%dma_start3A : memref<640xf32, #tpu.memory_space<hbm>>) target_semaphore(%run_scoped3A : memref<!tpu.dma_semaphore, #tpu.memory_space<semaphore_mem>>)
        %dma_wait3A = tpu.memref_slice %arg7[%mul3A_22] : memref<10240xf32, #tpu.memory_space<hbm>> -> memref<640xf32, #tpu.memory_space<hbm>>
        %dma_wait3A_50 = tpu.memref_slice %arg15[%mul3A_22] : memref<10240xf32, #tpu.memory_space<vmem_shared>> -> memref<640xf32, #tpu.memory_space<vmem_shared>>
        tpu.wait_dma2 semaphore(%run_scoped3A : memref<!tpu.dma_semaphore, #tpu.memory_space<semaphore_mem>>) src(%dma_wait3A_50 : memref<640xf32, #tpu.memory_space<vmem_shared>>) dst(%dma_wait3A : memref<640xf32, #tpu.memory_space<hbm>>)
        tpu.yield
      }) : () -> ()
    } else {
    }
    %eq3A_44 = arith.constant 1 : i32
    %eq3A_45 = arith.cmpi eq, %arg0, %eq3A_44 : i32
    %convert_element_type3A_46 = arith.extui %eq3A_45 : i1 to i32
    %cond3A_47 = arith.constant 0 : i32
    %cond3A_48 = arith.cmpi ne, %convert_element_type3A_46, %cond3A_47 : i32
    scf.if %cond3A_48 {
      "tpu.region"() ({
        %run_scoped3A = tpu.sem_alloc : memref<!tpu.dma_semaphore, #tpu.memory_space<semaphore_mem>>
        %dma_start3A = arith.constant 0 : i32
        %dma_start3A_49 = tpu.memref_slice %arg6[%mul3A_22, %dma_start3A] : memref<10240x128xf32, #tpu.memory_space<hbm>> -> memref<640x128xf32, #tpu.memory_space<hbm>>
        %dma_start3A_50 = arith.constant 0 : i32
        %dma_start3A_51 = tpu.memref_slice %arg14[%mul3A_22, %dma_start3A_50] : memref<10240x128xf32, #tpu.memory_space<vmem_shared>> -> memref<640x128xf32, #tpu.memory_space<vmem_shared>>
        tpu.enqueue_dma source(%dma_start3A_51 : memref<640x128xf32, #tpu.memory_space<vmem_shared>>) target(%dma_start3A_49 : memref<640x128xf32, #tpu.memory_space<hbm>>) target_semaphore(%run_scoped3A : memref<!tpu.dma_semaphore, #tpu.memory_space<semaphore_mem>>)
        %dma_wait3A = arith.constant 0 : i32
        %dma_wait3A_52 = tpu.memref_slice %arg6[%mul3A_22, %dma_wait3A] : memref<10240x128xf32, #tpu.memory_space<hbm>> -> memref<640x128xf32, #tpu.memory_space<hbm>>
        %dma_wait3A_53 = arith.constant 0 : i32
        %dma_wait3A_54 = tpu.memref_slice %arg14[%mul3A_22, %dma_wait3A_53] : memref<10240x128xf32, #tpu.memory_space<vmem_shared>> -> memref<640x128xf32, #tpu.memory_space<vmem_shared>>
        tpu.wait_dma2 semaphore(%run_scoped3A : memref<!tpu.dma_semaphore, #tpu.memory_space<semaphore_mem>>) src(%dma_wait3A_54 : memref<640x128xf32, #tpu.memory_space<vmem_shared>>) dst(%dma_wait3A_52 : memref<640x128xf32, #tpu.memory_space<hbm>>)
        tpu.yield
      }) : () -> ()
      "tpu.region"() ({
        %run_scoped3A = tpu.sem_alloc : memref<!tpu.dma_semaphore, #tpu.memory_space<semaphore_mem>>
        %dma_start3A = tpu.memref_slice %arg8[%mul3A_22] : memref<10240xf32, #tpu.memory_space<hbm>> -> memref<640xf32, #tpu.memory_space<hbm>>
        %dma_start3A_49 = tpu.memref_slice %arg15[%mul3A_22] : memref<10240xf32, #tpu.memory_space<vmem_shared>> -> memref<640xf32, #tpu.memory_space<vmem_shared>>
        tpu.enqueue_dma source(%dma_start3A_49 : memref<640xf32, #tpu.memory_space<vmem_shared>>) target(%dma_start3A : memref<640xf32, #tpu.memory_space<hbm>>) target_semaphore(%run_scoped3A : memref<!tpu.dma_semaphore, #tpu.memory_space<semaphore_mem>>)
        %dma_wait3A = tpu.memref_slice %arg8[%mul3A_22] : memref<10240xf32, #tpu.memory_space<hbm>> -> memref<640xf32, #tpu.memory_space<hbm>>
        %dma_wait3A_50 = tpu.memref_slice %arg15[%mul3A_22] : memref<10240xf32, #tpu.memory_space<vmem_shared>> -> memref<640xf32, #tpu.memory_space<vmem_shared>>
        tpu.wait_dma2 semaphore(%run_scoped3A : memref<!tpu.dma_semaphore, #tpu.memory_space<semaphore_mem>>) src(%dma_wait3A_50 : memref<640xf32, #tpu.memory_space<vmem_shared>>) dst(%dma_wait3A : memref<640xf32, #tpu.memory_space<hbm>>)
        tpu.yield
      }) : () -> ()
    } else {
    }
    return
  }
}

#map = affine_map<(d0, d1) -> (0, 0)>
#map1 = affine_map<(d0, d1) -> (0)>
module attributes {stable_mosaic.version = 14 : i64} {
  func.func @_seg_body(%arg0: i32, %arg1: i32, %arg2: memref<10240x128xf32, #tpu.memory_space<hbm>>, %arg3: memref<323584xi32, #tpu.memory_space<hbm>>, %arg4: memref<323584xi32, #tpu.memory_space<hbm>>, %arg5: memref<10240x128xf32, #tpu.memory_space<hbm>>, %arg6: memref<10240x128xf32, #tpu.memory_space<hbm>>, %arg7: memref<128xi32, #tpu.memory_space<vmem>>, %arg8: memref<128xi32, #tpu.memory_space<vmem>>, %arg9: memref<128x128xf32, #tpu.memory_space<vmem>>, %arg10: memref<10240x128xf32, #tpu.memory_space<vmem_shared>>, %arg11: memref<!tpu.dma_semaphore, #tpu.memory_space<semaphore_mem>>) attributes {dimension_semantics = [#tpu.dimension_semantics<core_parallel>, #tpu.dimension_semantics<subcore_parallel>], iteration_bounds = array<i64: 2, 16>, scalar_prefetch = 0 : i64, scratch_operands = 5 : i64, tpu.core_type = #tpu.core_type<sc_vector_subcore>, window_params = [{transform_indices = #map}, {transform_indices = #map1}, {transform_indices = #map1}, {transform_indices = #map}, {transform_indices = #map}]} {
    %mul3A = arith.constant 16 : i32
    %mul3A_0 = arith.muli %arg0, %mul3A : i32
    %add3A = arith.addi %mul3A_0, %arg1 : i32
    %broadcast_in_dim3A = arith.constant 0.000000e+00 : f32
    %broadcast_in_dim3A_1 = vector.broadcast %broadcast_in_dim3A : f32 to vector<16xf32>
    %scan3A = arith.constant 0 : i32
    %scan3A_2 = arith.constant 0 : i32
    %scan3A_3 = arith.constant 1024 : i32
    %scan3A_4 = arith.addi %scan3A_2, %scan3A_3 : i32
    %scan3A_5 = arith.constant 1 : i32
    scf.for %scan3A_35 = %scan3A_2 to %scan3A_4 step %scan3A_5  : i32 {
      %jit3A = arith.constant 8 : i32
      %div3A = arith.divsi %scan3A_35, %jit3A : i32
      %sign3A = arith.constant 0 : i32
      %sign3A_36 = arith.cmpi sgt, %scan3A_35, %sign3A : i32
      %sign3A_37 = arith.extui %sign3A_36 : i1 to i32
      %sign3A_38 = arith.constant 0 : i32
      %sign3A_39 = arith.cmpi slt, %scan3A_35, %sign3A_38 : i32
      %sign3A_40 = arith.extui %sign3A_39 : i1 to i32
      %sign3A_41 = arith.subi %sign3A_37, %sign3A_40 : i32
      %sign3A_42 = arith.constant 0 : i32
      %sign3A_43 = arith.cmpi sgt, %jit3A, %sign3A_42 : i32
      %sign3A_44 = arith.extui %sign3A_43 : i1 to i32
      %sign3A_45 = arith.constant 0 : i32
      %sign3A_46 = arith.cmpi slt, %jit3A, %sign3A_45 : i32
      %sign3A_47 = arith.extui %sign3A_46 : i1 to i32
      %sign3A_48 = arith.subi %sign3A_44, %sign3A_47 : i32
      %ne3A = arith.cmpi ne, %sign3A_41, %sign3A_48 : i32
      %rem3A = arith.remsi %scan3A_35, %jit3A : i32
      %ne3A_49 = arith.constant 0 : i32
      %ne3A_50 = arith.cmpi ne, %rem3A, %ne3A_49 : i32
      %and3A = arith.andi %ne3A, %ne3A_50 : i1
      %sub3A = arith.constant 1 : i32
      %sub3A_51 = arith.subi %div3A, %sub3A : i32
      %select_n3A = arith.select %and3A, %sub3A_51, %div3A : i32
      %jit3A_52 = arith.constant 8 : i32
      %eq3A_53 = arith.constant 0 : i32
      %eq3A_54 = arith.cmpi eq, %jit3A_52, %eq3A_53 : i32
      %jit3A_55 = arith.constant 1 : i32
      %select_n3A_56 = arith.select %eq3A_54, %jit3A_55, %jit3A_52 : i32
      %rem3A_57 = arith.remsi %scan3A_35, %select_n3A_56 : i32
      %ne3A_58 = arith.constant 0 : i32
      %ne3A_59 = arith.cmpi ne, %rem3A_57, %ne3A_58 : i32
      %lt3A = arith.constant 0 : i32
      %lt3A_60 = arith.cmpi slt, %rem3A_57, %lt3A : i32
      %lt3A_61 = arith.constant 0 : i32
      %lt3A_62 = arith.cmpi slt, %select_n3A_56, %lt3A_61 : i32
      %ne3A_63 = arith.xori %lt3A_60, %lt3A_62 : i1
      %and3A_64 = arith.andi %ne3A_63, %ne3A_59 : i1
      %add3A_65 = arith.addi %rem3A_57, %select_n3A_56 : i32
      %select_n3A_66 = arith.select %and3A_64, %add3A_65, %rem3A_57 : i32
      %mul3A_67 = arith.constant 16 : i32
      %mul3A_68 = arith.muli %select_n3A_66, %mul3A_67 : i32
      %swap3A = arith.index_cast %select_n3A : i32 to index
      %swap3A_69 = arith.index_cast %mul3A_68 : i32 to index
      %swap3A_70 = tpu.vector_load %arg9[%swap3A, %swap3A_69] {strides = array<i32>} : memref<128x128xf32, #tpu.memory_space<vmem>>, vector<1x16xf32>,
      %swap3A_71 = vector.shape_cast %swap3A_70 : vector<1x16xf32> to vector<16xf32>
      %swap3A_72 = vector.shape_cast %broadcast_in_dim3A_1 : vector<16xf32> to vector<1x16xf32>
      tpu.vector_store %arg9[%swap3A, %swap3A_69], %swap3A_72 {strides = array<i32>} : memref<128x128xf32, #tpu.memory_space<vmem>>, vector<1x16xf32>,
    }
    %scan3A_6 = arith.constant 1024 : i32
    %mul3A_7 = arith.constant 640 : i32
    %mul3A_8 = arith.muli %arg1, %mul3A_7 : i32
    %add3A_9 = arith.constant 0 : i32
    %add3A_10 = arith.addi %mul3A_8, %add3A_9 : i32
    "tpu.region"() ({
      %run_scoped3A = tpu.sem_alloc : memref<!tpu.dma_semaphore, #tpu.memory_space<semaphore_mem>>
      %dma_start3A = arith.constant 0 : i32
      %dma_start3A_35 = tpu.memref_slice %arg10[%add3A_10, %dma_start3A] : memref<10240x128xf32, #tpu.memory_space<vmem_shared>> -> memref<128x128xf32, #tpu.memory_space<vmem_shared>>
      %dma_start3A_36 = arith.constant 0 : i32
      %dma_start3A_37 = tpu.memref_slice %arg10[%add3A_10, %dma_start3A_36] : memref<10240x128xf32, #tpu.memory_space<vmem_shared>> -> memref<128x128xf32, #tpu.memory_space<vmem_shared>>
      tpu.enqueue_dma source(%arg9 : memref<128x128xf32, #tpu.memory_space<vmem>>) target(%dma_start3A_37 : memref<128x128xf32, #tpu.memory_space<vmem_shared>>) target_semaphore(%run_scoped3A : memref<!tpu.dma_semaphore, #tpu.memory_space<semaphore_mem>>)
      %dma_wait3A = arith.constant 0 : i32
      %dma_wait3A_38 = tpu.memref_slice %arg10[%add3A_10, %dma_wait3A] : memref<10240x128xf32, #tpu.memory_space<vmem_shared>> -> memref<128x128xf32, #tpu.memory_space<vmem_shared>>
      %dma_wait3A_39 = arith.constant 0 : i32
      %dma_wait3A_40 = tpu.memref_slice %arg10[%add3A_10, %dma_wait3A_39] : memref<10240x128xf32, #tpu.memory_space<vmem_shared>> -> memref<128x128xf32, #tpu.memory_space<vmem_shared>>
      tpu.wait_dma2 semaphore(%run_scoped3A : memref<!tpu.dma_semaphore, #tpu.memory_space<semaphore_mem>>) src(%arg9 : memref<128x128xf32, #tpu.memory_space<vmem>>) dst(%dma_wait3A_40 : memref<128x128xf32, #tpu.memory_space<vmem_shared>>)
      tpu.yield
    }) : () -> ()
    %add3A_11 = arith.constant 128 : i32
    %add3A_12 = arith.addi %mul3A_8, %add3A_11 : i32
    "tpu.region"() ({
      %run_scoped3A = tpu.sem_alloc : memref<!tpu.dma_semaphore, #tpu.memory_space<semaphore_mem>>
      %dma_start3A = arith.constant 0 : i32
      %dma_start3A_35 = tpu.memref_slice %arg10[%add3A_12, %dma_start3A] : memref<10240x128xf32, #tpu.memory_space<vmem_shared>> -> memref<128x128xf32, #tpu.memory_space<vmem_shared>>
      %dma_start3A_36 = arith.constant 0 : i32
      %dma_start3A_37 = tpu.memref_slice %arg10[%add3A_12, %dma_start3A_36] : memref<10240x128xf32, #tpu.memory_space<vmem_shared>> -> memref<128x128xf32, #tpu.memory_space<vmem_shared>>
      tpu.enqueue_dma source(%arg9 : memref<128x128xf32, #tpu.memory_space<vmem>>) target(%dma_start3A_37 : memref<128x128xf32, #tpu.memory_space<vmem_shared>>) target_semaphore(%run_scoped3A : memref<!tpu.dma_semaphore, #tpu.memory_space<semaphore_mem>>)
      %dma_wait3A = arith.constant 0 : i32
      %dma_wait3A_38 = tpu.memref_slice %arg10[%add3A_12, %dma_wait3A] : memref<10240x128xf32, #tpu.memory_space<vmem_shared>> -> memref<128x128xf32, #tpu.memory_space<vmem_shared>>
      %dma_wait3A_39 = arith.constant 0 : i32
      %dma_wait3A_40 = tpu.memref_slice %arg10[%add3A_12, %dma_wait3A_39] : memref<10240x128xf32, #tpu.memory_space<vmem_shared>> -> memref<128x128xf32, #tpu.memory_space<vmem_shared>>
      tpu.wait_dma2 semaphore(%run_scoped3A : memref<!tpu.dma_semaphore, #tpu.memory_space<semaphore_mem>>) src(%arg9 : memref<128x128xf32, #tpu.memory_space<vmem>>) dst(%dma_wait3A_40 : memref<128x128xf32, #tpu.memory_space<vmem_shared>>)
      tpu.yield
    }) : () -> ()
    %add3A_13 = arith.constant 256 : i32
    %add3A_14 = arith.addi %mul3A_8, %add3A_13 : i32
    "tpu.region"() ({
      %run_scoped3A = tpu.sem_alloc : memref<!tpu.dma_semaphore, #tpu.memory_space<semaphore_mem>>
      %dma_start3A = arith.constant 0 : i32
      %dma_start3A_35 = tpu.memref_slice %arg10[%add3A_14, %dma_start3A] : memref<10240x128xf32, #tpu.memory_space<vmem_shared>> -> memref<128x128xf32, #tpu.memory_space<vmem_shared>>
      %dma_start3A_36 = arith.constant 0 : i32
      %dma_start3A_37 = tpu.memref_slice %arg10[%add3A_14, %dma_start3A_36] : memref<10240x128xf32, #tpu.memory_space<vmem_shared>> -> memref<128x128xf32, #tpu.memory_space<vmem_shared>>
      tpu.enqueue_dma source(%arg9 : memref<128x128xf32, #tpu.memory_space<vmem>>) target(%dma_start3A_37 : memref<128x128xf32, #tpu.memory_space<vmem_shared>>) target_semaphore(%run_scoped3A : memref<!tpu.dma_semaphore, #tpu.memory_space<semaphore_mem>>)
      %dma_wait3A = arith.constant 0 : i32
      %dma_wait3A_38 = tpu.memref_slice %arg10[%add3A_14, %dma_wait3A] : memref<10240x128xf32, #tpu.memory_space<vmem_shared>> -> memref<128x128xf32, #tpu.memory_space<vmem_shared>>
      %dma_wait3A_39 = arith.constant 0 : i32
      %dma_wait3A_40 = tpu.memref_slice %arg10[%add3A_14, %dma_wait3A_39] : memref<10240x128xf32, #tpu.memory_space<vmem_shared>> -> memref<128x128xf32, #tpu.memory_space<vmem_shared>>
      tpu.wait_dma2 semaphore(%run_scoped3A : memref<!tpu.dma_semaphore, #tpu.memory_space<semaphore_mem>>) src(%arg9 : memref<128x128xf32, #tpu.memory_space<vmem>>) dst(%dma_wait3A_40 : memref<128x128xf32, #tpu.memory_space<vmem_shared>>)
      tpu.yield
    }) : () -> ()
    %add3A_15 = arith.constant 384 : i32
    %add3A_16 = arith.addi %mul3A_8, %add3A_15 : i32
    "tpu.region"() ({
      %run_scoped3A = tpu.sem_alloc : memref<!tpu.dma_semaphore, #tpu.memory_space<semaphore_mem>>
      %dma_start3A = arith.constant 0 : i32
      %dma_start3A_35 = tpu.memref_slice %arg10[%add3A_16, %dma_start3A] : memref<10240x128xf32, #tpu.memory_space<vmem_shared>> -> memref<128x128xf32, #tpu.memory_space<vmem_shared>>
      %dma_start3A_36 = arith.constant 0 : i32
      %dma_start3A_37 = tpu.memref_slice %arg10[%add3A_16, %dma_start3A_36] : memref<10240x128xf32, #tpu.memory_space<vmem_shared>> -> memref<128x128xf32, #tpu.memory_space<vmem_shared>>
      tpu.enqueue_dma source(%arg9 : memref<128x128xf32, #tpu.memory_space<vmem>>) target(%dma_start3A_37 : memref<128x128xf32, #tpu.memory_space<vmem_shared>>) target_semaphore(%run_scoped3A : memref<!tpu.dma_semaphore, #tpu.memory_space<semaphore_mem>>)
      %dma_wait3A = arith.constant 0 : i32
      %dma_wait3A_38 = tpu.memref_slice %arg10[%add3A_16, %dma_wait3A] : memref<10240x128xf32, #tpu.memory_space<vmem_shared>> -> memref<128x128xf32, #tpu.memory_space<vmem_shared>>
      %dma_wait3A_39 = arith.constant 0 : i32
      %dma_wait3A_40 = tpu.memref_slice %arg10[%add3A_16, %dma_wait3A_39] : memref<10240x128xf32, #tpu.memory_space<vmem_shared>> -> memref<128x128xf32, #tpu.memory_space<vmem_shared>>
      tpu.wait_dma2 semaphore(%run_scoped3A : memref<!tpu.dma_semaphore, #tpu.memory_space<semaphore_mem>>) src(%arg9 : memref<128x128xf32, #tpu.memory_space<vmem>>) dst(%dma_wait3A_40 : memref<128x128xf32, #tpu.memory_space<vmem_shared>>)
      tpu.yield
    }) : () -> ()
    %add3A_17 = arith.constant 512 : i32
    %add3A_18 = arith.addi %mul3A_8, %add3A_17 : i32
    "tpu.region"() ({
      %run_scoped3A = tpu.sem_alloc : memref<!tpu.dma_semaphore, #tpu.memory_space<semaphore_mem>>
      %dma_start3A = arith.constant 0 : i32
      %dma_start3A_35 = tpu.memref_slice %arg10[%add3A_18, %dma_start3A] : memref<10240x128xf32, #tpu.memory_space<vmem_shared>> -> memref<128x128xf32, #tpu.memory_space<vmem_shared>>
      %dma_start3A_36 = arith.constant 0 : i32
      %dma_start3A_37 = tpu.memref_slice %arg10[%add3A_18, %dma_start3A_36] : memref<10240x128xf32, #tpu.memory_space<vmem_shared>> -> memref<128x128xf32, #tpu.memory_space<vmem_shared>>
      tpu.enqueue_dma source(%arg9 : memref<128x128xf32, #tpu.memory_space<vmem>>) target(%dma_start3A_37 : memref<128x128xf32, #tpu.memory_space<vmem_shared>>) target_semaphore(%run_scoped3A : memref<!tpu.dma_semaphore, #tpu.memory_space<semaphore_mem>>)
      %dma_wait3A = arith.constant 0 : i32
      %dma_wait3A_38 = tpu.memref_slice %arg10[%add3A_18, %dma_wait3A] : memref<10240x128xf32, #tpu.memory_space<vmem_shared>> -> memref<128x128xf32, #tpu.memory_space<vmem_shared>>
      %dma_wait3A_39 = arith.constant 0 : i32
      %dma_wait3A_40 = tpu.memref_slice %arg10[%add3A_18, %dma_wait3A_39] : memref<10240x128xf32, #tpu.memory_space<vmem_shared>> -> memref<128x128xf32, #tpu.memory_space<vmem_shared>>
      tpu.wait_dma2 semaphore(%run_scoped3A : memref<!tpu.dma_semaphore, #tpu.memory_space<semaphore_mem>>) src(%arg9 : memref<128x128xf32, #tpu.memory_space<vmem>>) dst(%dma_wait3A_40 : memref<128x128xf32, #tpu.memory_space<vmem_shared>>)
      tpu.yield
    }) : () -> ()
    %barrier3A = arith.constant 0 : index
    tpu.barrier barrier_id(%barrier3A)
    %mul3A_19 = arith.constant 79 : i32
    %mul3A_20 = arith.muli %add3A, %mul3A_19 : i32
    %scan3A_21 = arith.constant 0 : i32
    %scan3A_22 = arith.constant 0 : i32
    %scan3A_23 = arith.constant 79 : i32
    %scan3A_24 = arith.addi %scan3A_22, %scan3A_23 : i32
    %scan3A_25 = arith.constant 1 : i32
    scf.for %scan3A_35 = %scan3A_22 to %scan3A_24 step %scan3A_25  : i32 {
      %add3A_36 = arith.addi %mul3A_20, %scan3A_35 : i32
      %mul3A_37 = arith.constant 128 : i32
      %mul3A_38 = arith.muli %add3A_36, %mul3A_37 : i32
      "tpu.region"() ({
        %run_scoped3A = tpu.sem_alloc : memref<!tpu.dma_semaphore, #tpu.memory_space<semaphore_mem>>
        %dma_start3A_43 = tpu.memref_slice %arg3[%mul3A_38] : memref<323584xi32, #tpu.memory_space<hbm>> -> memref<128xi32, #tpu.memory_space<hbm>>
        %dma_start3A_44 = tpu.memref_slice %arg3[%mul3A_38] : memref<323584xi32, #tpu.memory_space<hbm>> -> memref<128xi32, #tpu.memory_space<hbm>>
        tpu.enqueue_dma source(%dma_start3A_44 : memref<128xi32, #tpu.memory_space<hbm>>) target(%arg7 : memref<128xi32, #tpu.memory_space<vmem>>) target_semaphore(%run_scoped3A : memref<!tpu.dma_semaphore, #tpu.memory_space<semaphore_mem>>)
        %dma_wait3A_45 = tpu.memref_slice %arg3[%mul3A_38] : memref<323584xi32, #tpu.memory_space<hbm>> -> memref<128xi32, #tpu.memory_space<hbm>>
        %dma_wait3A_46 = tpu.memref_slice %arg3[%mul3A_38] : memref<323584xi32, #tpu.memory_space<hbm>> -> memref<128xi32, #tpu.memory_space<hbm>>
        tpu.wait_dma2 semaphore(%run_scoped3A : memref<!tpu.dma_semaphore, #tpu.memory_space<semaphore_mem>>) src(%dma_wait3A_46 : memref<128xi32, #tpu.memory_space<hbm>>) dst(%arg7 : memref<128xi32, #tpu.memory_space<vmem>>)
        tpu.yield
      }) : () -> ()
      "tpu.region"() ({
        %run_scoped3A = tpu.sem_alloc : memref<!tpu.dma_semaphore, #tpu.memory_space<semaphore_mem>>
        %dma_start3A_43 = tpu.memref_slice %arg4[%mul3A_38] : memref<323584xi32, #tpu.memory_space<hbm>> -> memref<128xi32, #tpu.memory_space<hbm>>
        %dma_start3A_44 = tpu.memref_slice %arg4[%mul3A_38] : memref<323584xi32, #tpu.memory_space<hbm>> -> memref<128xi32, #tpu.memory_space<hbm>>
        tpu.enqueue_dma source(%dma_start3A_44 : memref<128xi32, #tpu.memory_space<hbm>>) target(%arg8 : memref<128xi32, #tpu.memory_space<vmem>>) target_semaphore(%run_scoped3A : memref<!tpu.dma_semaphore, #tpu.memory_space<semaphore_mem>>)
        %dma_wait3A_45 = tpu.memref_slice %arg4[%mul3A_38] : memref<323584xi32, #tpu.memory_space<hbm>> -> memref<128xi32, #tpu.memory_space<hbm>>
        %dma_wait3A_46 = tpu.memref_slice %arg4[%mul3A_38] : memref<323584xi32, #tpu.memory_space<hbm>> -> memref<128xi32, #tpu.memory_space<hbm>>
        tpu.wait_dma2 semaphore(%run_scoped3A : memref<!tpu.dma_semaphore, #tpu.memory_space<semaphore_mem>>) src(%dma_wait3A_46 : memref<128xi32, #tpu.memory_space<hbm>>) dst(%arg8 : memref<128xi32, #tpu.memory_space<vmem>>)
        tpu.yield
      }) : () -> ()
      %dma_start3A = arith.constant 0 : i32
      %dma_start3A_39 = arith.constant 0 : i32
      %dma_start3A_40 = tpu.memref_slice %arg2[%dma_start3A, %dma_start3A_39] : memref<10240x128xf32, #tpu.memory_space<hbm>> -> memref<10240x128xf32, #tpu.memory_space<hbm>>
      tpu.enqueue_indirect_dma source(%dma_start3A_40 : memref<10240x128xf32, #tpu.memory_space<hbm>>) target(%arg9 : memref<128x128xf32, #tpu.memory_space<vmem>>) offsets(%arg7 : memref<128xi32, #tpu.memory_space<vmem>>) semaphore(%arg11 : memref<!tpu.dma_semaphore, #tpu.memory_space<semaphore_mem>>)
      %dma_wait3A = arith.constant 0 : i32
      %dma_wait3A_41 = arith.constant 0 : i32
      %dma_wait3A_42 = tpu.memref_slice %arg2[%dma_wait3A, %dma_wait3A_41] : memref<10240x128xf32, #tpu.memory_space<hbm>> -> memref<10240x128xf32, #tpu.memory_space<hbm>>
      tpu.wait_indirect_dma semaphore(%arg11 : memref<!tpu.dma_semaphore, #tpu.memory_space<semaphore_mem>>) src(%dma_wait3A_42 : memref<10240x128xf32, #tpu.memory_space<hbm>>) dst(%arg9 : memref<128x128xf32, #tpu.memory_space<vmem>>)
      "tpu.region"() ({
        %run_scoped3A = tpu.sem_alloc : memref<!tpu.dma_semaphore, #tpu.memory_space<semaphore_mem>>
        %dma_start3A_43 = arith.constant 0 : i32
        %dma_start3A_44 = arith.constant 0 : i32
        %dma_start3A_45 = tpu.memref_slice %arg10[%dma_start3A_43, %dma_start3A_44] : memref<10240x128xf32, #tpu.memory_space<vmem_shared>> -> memref<10240x128xf32, #tpu.memory_space<vmem_shared>>
        tpu.enqueue_indirect_dma source(%arg9 : memref<128x128xf32, #tpu.memory_space<vmem>>) target(%dma_start3A_45 : memref<10240x128xf32, #tpu.memory_space<vmem_shared>>) offsets(%arg8 : memref<128xi32, #tpu.memory_space<vmem>>) semaphore(%run_scoped3A : memref<!tpu.dma_semaphore, #tpu.memory_space<semaphore_mem>>) {add = true}
        %dma_wait3A_46 = arith.constant 0 : i32
        %dma_wait3A_47 = arith.constant 0 : i32
        %dma_wait3A_48 = tpu.memref_slice %arg10[%dma_wait3A_46, %dma_wait3A_47] : memref<10240x128xf32, #tpu.memory_space<vmem_shared>> -> memref<10240x128xf32, #tpu.memory_space<vmem_shared>>
        tpu.wait_indirect_dma semaphore(%run_scoped3A : memref<!tpu.dma_semaphore, #tpu.memory_space<semaphore_mem>>) src(%arg9 : memref<128x128xf32, #tpu.memory_space<vmem>>) dst(%dma_wait3A_48 : memref<10240x128xf32, #tpu.memory_space<vmem_shared>>)
        tpu.yield
      }) : () -> ()
    }
    %scan3A_26 = arith.constant 79 : i32
    %barrier3A_27 = arith.constant 0 : index
    tpu.barrier barrier_id(%barrier3A_27)
    %eq3A = arith.constant 0 : i32
    %eq3A_28 = arith.cmpi eq, %arg0, %eq3A : i32
    %convert_element_type3A = arith.extui %eq3A_28 : i1 to i32
    %cond3A = arith.constant 0 : i32
    %cond3A_29 = arith.cmpi ne, %convert_element_type3A, %cond3A : i32
    scf.if %cond3A_29 {
      "tpu.region"() ({
        %run_scoped3A = tpu.sem_alloc : memref<!tpu.dma_semaphore, #tpu.memory_space<semaphore_mem>>
        %dma_start3A = arith.constant 0 : i32
        %dma_start3A_35 = tpu.memref_slice %arg5[%mul3A_8, %dma_start3A] : memref<10240x128xf32, #tpu.memory_space<hbm>> -> memref<640x128xf32, #tpu.memory_space<hbm>>
        %dma_start3A_36 = arith.constant 0 : i32
        %dma_start3A_37 = tpu.memref_slice %arg10[%mul3A_8, %dma_start3A_36] : memref<10240x128xf32, #tpu.memory_space<vmem_shared>> -> memref<640x128xf32, #tpu.memory_space<vmem_shared>>
        tpu.enqueue_dma source(%dma_start3A_37 : memref<640x128xf32, #tpu.memory_space<vmem_shared>>) target(%dma_start3A_35 : memref<640x128xf32, #tpu.memory_space<hbm>>) target_semaphore(%run_scoped3A : memref<!tpu.dma_semaphore, #tpu.memory_space<semaphore_mem>>)
        %dma_wait3A = arith.constant 0 : i32
        %dma_wait3A_38 = tpu.memref_slice %arg5[%mul3A_8, %dma_wait3A] : memref<10240x128xf32, #tpu.memory_space<hbm>> -> memref<640x128xf32, #tpu.memory_space<hbm>>
        %dma_wait3A_39 = arith.constant 0 : i32
        %dma_wait3A_40 = tpu.memref_slice %arg10[%mul3A_8, %dma_wait3A_39] : memref<10240x128xf32, #tpu.memory_space<vmem_shared>> -> memref<640x128xf32, #tpu.memory_space<vmem_shared>>
        tpu.wait_dma2 semaphore(%run_scoped3A : memref<!tpu.dma_semaphore, #tpu.memory_space<semaphore_mem>>) src(%dma_wait3A_40 : memref<640x128xf32, #tpu.memory_space<vmem_shared>>) dst(%dma_wait3A_38 : memref<640x128xf32, #tpu.memory_space<hbm>>)
        tpu.yield
      }) : () -> ()
    } else {
    }
    %eq3A_30 = arith.constant 1 : i32
    %eq3A_31 = arith.cmpi eq, %arg0, %eq3A_30 : i32
    %convert_element_type3A_32 = arith.extui %eq3A_31 : i1 to i32
    %cond3A_33 = arith.constant 0 : i32
    %cond3A_34 = arith.cmpi ne, %convert_element_type3A_32, %cond3A_33 : i32
    scf.if %cond3A_34 {
      "tpu.region"() ({
        %run_scoped3A = tpu.sem_alloc : memref<!tpu.dma_semaphore, #tpu.memory_space<semaphore_mem>>
        %dma_start3A = arith.constant 0 : i32
        %dma_start3A_35 = tpu.memref_slice %arg6[%mul3A_8, %dma_start3A] : memref<10240x128xf32, #tpu.memory_space<hbm>> -> memref<640x128xf32, #tpu.memory_space<hbm>>
        %dma_start3A_36 = arith.constant 0 : i32
        %dma_start3A_37 = tpu.memref_slice %arg10[%mul3A_8, %dma_start3A_36] : memref<10240x128xf32, #tpu.memory_space<vmem_shared>> -> memref<640x128xf32, #tpu.memory_space<vmem_shared>>
        tpu.enqueue_dma source(%dma_start3A_37 : memref<640x128xf32, #tpu.memory_space<vmem_shared>>) target(%dma_start3A_35 : memref<640x128xf32, #tpu.memory_space<hbm>>) target_semaphore(%run_scoped3A : memref<!tpu.dma_semaphore, #tpu.memory_space<semaphore_mem>>)
        %dma_wait3A = arith.constant 0 : i32
        %dma_wait3A_38 = tpu.memref_slice %arg6[%mul3A_8, %dma_wait3A] : memref<10240x128xf32, #tpu.memory_space<hbm>> -> memref<640x128xf32, #tpu.memory_space<hbm>>
        %dma_wait3A_39 = arith.constant 0 : i32
        %dma_wait3A_40 = tpu.memref_slice %arg10[%mul3A_8, %dma_wait3A_39] : memref<10240x128xf32, #tpu.memory_space<vmem_shared>> -> memref<640x128xf32, #tpu.memory_space<vmem_shared>>
        tpu.wait_dma2 semaphore(%run_scoped3A : memref<!tpu.dma_semaphore, #tpu.memory_space<semaphore_mem>>) src(%dma_wait3A_40 : memref<640x128xf32, #tpu.memory_space<vmem_shared>>) dst(%dma_wait3A_38 : memref<640x128xf32, #tpu.memory_space<hbm>>)
        tpu.yield
      }) : () -> ()
    } else {
    }
    return
  }
}

module attributes {stable_mosaic.version = 14 : i64} {
  func.func @_mm_first_body(%arg0: i32, %arg1: memref<1024x128xf32, #tpu.memory_space<vmem>>, %arg2: memref<128x128xf32, #tpu.memory_space<vmem>>, %arg3: memref<128x128xf32, #tpu.memory_space<vmem>>, %arg4: memref<1x128xf32, #tpu.memory_space<vmem>>, %arg5: memref<1024x128xf32, #tpu.memory_space<vmem>>, %arg6: memref<1024x128xf32, #tpu.memory_space<vmem>>) attributes {dimension_semantics = [#tpu.dimension_semantics<arbitrary>], iteration_bounds = array<i64: 10>, scalar_prefetch = 0 : i64, scratch_operands = 0 : i64, tpu.core_type = #tpu.core_type<tc>, window_params = [{transform_indices = @transform_0, window_bounds = array<i64: 1024, 128>}, {pipeline_mode = #tpu.pipeline_mode<synchronous>, transform_indices = @transform_1, window_bounds = array<i64: 128, 128>}, {pipeline_mode = #tpu.pipeline_mode<synchronous>, transform_indices = @transform_2, window_bounds = array<i64: 128, 128>}, {pipeline_mode = #tpu.pipeline_mode<synchronous>, transform_indices = @transform_3, window_bounds = array<i64: 1, 128>}, {transform_indices = @transform_4, window_bounds = array<i64: 1024, 128>}, {transform_indices = @transform_5, window_bounds = array<i64: 1024, 128>}]} {
    %get3A = arith.constant 0 : index
    %get3A_0 = arith.constant 0 : index
    %get3A_1 = vector.load %arg1[%get3A, %get3A_0] : memref<1024x128xf32, #tpu.memory_space<vmem>>, vector<1024x128xf32>
    %get3A_2 = arith.constant 0 : index
    %get3A_3 = arith.constant 0 : index
    %get3A_4 = vector.load %arg2[%get3A_2, %get3A_3] : memref<128x128xf32, #tpu.memory_space<vmem>>, vector<128x128xf32>
    %dot_general3A = arith.constant dense<0.000000e+00> : vector<1024x128xf32>
    %dot_general3A_5 = tpu.matmul %get3A_1, %get3A_4, %dot_general3A {dimension_numbers = #tpu.dot_dimension_numbers<[1], [1], [0], [0], [0, 0, 1, 0], [], []>, transpose_lhs_hint = false} : vector<1024x128xf32>, vector<128x128xf32>, vector<1024x128xf32> -> vector<1024x128xf32>
    %swap3A = arith.constant 0 : index
    %swap3A_6 = arith.constant 0 : index
    %swap3A_7 = vector.load %arg5[%swap3A, %swap3A_6] : memref<1024x128xf32, #tpu.memory_space<vmem>>, vector<1024x128xf32>
    tpu.vector_store %arg5[%swap3A, %swap3A_6], %dot_general3A_5 {strides = array<i32>} : memref<1024x128xf32, #tpu.memory_space<vmem>>, vector<1024x128xf32>,
    %get3A_8 = arith.constant 0 : index
    %get3A_9 = arith.constant 0 : index
    %get3A_10 = vector.load %arg3[%get3A_8, %get3A_9] : memref<128x128xf32, #tpu.memory_space<vmem>>, vector<128x128xf32>
    %dot_general3A_11 = arith.constant dense<0.000000e+00> : vector<1024x128xf32>
    %dot_general3A_12 = tpu.matmul %get3A_1, %get3A_10, %dot_general3A_11 {dimension_numbers = #tpu.dot_dimension_numbers<[1], [1], [0], [0], [0, 0, 1, 0], [], []>, transpose_lhs_hint = false} : vector<1024x128xf32>, vector<128x128xf32>, vector<1024x128xf32> -> vector<1024x128xf32>
    %get3A_13 = arith.constant 0 : index
    %get3A_14 = arith.constant 0 : index
    %get3A_15 = vector.load %arg4[%get3A_13, %get3A_14] : memref<1x128xf32, #tpu.memory_space<vmem>>, vector<1x128xf32>
    %add3A = vector.broadcast %get3A_15 : vector<1x128xf32> to vector<1024x128xf32>
    %add3A_16 = arith.addf %dot_general3A_12, %add3A : vector<1024x128xf32>
    %swap3A_17 = arith.constant 0 : index
    %swap3A_18 = arith.constant 0 : index
    %swap3A_19 = vector.load %arg6[%swap3A_17, %swap3A_18] : memref<1024x128xf32, #tpu.memory_space<vmem>>, vector<1024x128xf32>
    tpu.vector_store %arg6[%swap3A_17, %swap3A_18], %add3A_16 {strides = array<i32>} : memref<1024x128xf32, #tpu.memory_space<vmem>>, vector<1024x128xf32>,
    return
  }
  func.func @transform_0(%arg0: i32) -> (i32, i32) {
    %c0_i32 = arith.constant 0 : i32
    %c0_i32_0 = arith.constant 0 : i32
    return %arg0, %c0_i32 : i32, i32
  }
  func.func @transform_1(%arg0: i32) -> (i32, i32) {
    %c0_i32 = arith.constant 0 : i32
    %c0_i32_0 = arith.constant 0 : i32
    %c0_i32_1 = arith.constant 0 : i32
    return %c0_i32, %c0_i32_0 : i32, i32
  }
  func.func @transform_2(%arg0: i32) -> (i32, i32) {
    %c0_i32 = arith.constant 0 : i32
    %c0_i32_0 = arith.constant 0 : i32
    %c0_i32_1 = arith.constant 0 : i32
    return %c0_i32, %c0_i32_0 : i32, i32
  }
  func.func @transform_3(%arg0: i32) -> (i32, i32) {
    %c0_i32 = arith.constant 0 : i32
    %c0_i32_0 = arith.constant 0 : i32
    %c0_i32_1 = arith.constant 0 : i32
    return %c0_i32, %c0_i32_0 : i32, i32
  }
  func.func @transform_4(%arg0: i32) -> (i32, i32) {
    %c0_i32 = arith.constant 0 : i32
    %c0_i32_0 = arith.constant 0 : i32
    return %arg0, %c0_i32 : i32, i32
  }
  func.func @transform_5(%arg0: i32) -> (i32, i32) {
    %c0_i32 = arith.constant 0 : i32
    %c0_i32_0 = arith.constant 0 : i32
    return %arg0, %c0_i32 : i32, i32
  }
}

module attributes {stable_mosaic.version = 14 : i64} {
  func.func @_mm_mid_body(%arg0: i32, %arg1: memref<1024x128xf32, #tpu.memory_space<vmem>>, %arg2: memref<1024x128xf32, #tpu.memory_space<vmem>>, %arg3: memref<1024x1xf32, #tpu.memory_space<vmem>>, %arg4: memref<1024x1xf32, #tpu.memory_space<vmem>>, %arg5: memref<1024x128xf32, #tpu.memory_space<vmem>>, %arg6: memref<128x128xf32, #tpu.memory_space<vmem>>, %arg7: memref<128x128xf32, #tpu.memory_space<vmem>>, %arg8: memref<1x128xf32, #tpu.memory_space<vmem>>, %arg9: memref<1024x128xf32, #tpu.memory_space<vmem>>, %arg10: memref<1024x128xf32, #tpu.memory_space<vmem>>) attributes {dimension_semantics = [#tpu.dimension_semantics<arbitrary>], iteration_bounds = array<i64: 10>, scalar_prefetch = 0 : i64, scratch_operands = 0 : i64, tpu.core_type = #tpu.core_type<tc>, window_params = [{transform_indices = @transform_0, window_bounds = array<i64: 1024, 128>}, {transform_indices = @transform_1, window_bounds = array<i64: 1024, 128>}, {transform_indices = @transform_2, window_bounds = array<i64: 1024, 1>}, {transform_indices = @transform_3, window_bounds = array<i64: 1024, 1>}, {transform_indices = @transform_4, window_bounds = array<i64: 1024, 128>}, {pipeline_mode = #tpu.pipeline_mode<synchronous>, transform_indices = @transform_5, window_bounds = array<i64: 128, 128>}, {pipeline_mode = #tpu.pipeline_mode<synchronous>, transform_indices = @transform_6, window_bounds = array<i64: 128, 128>}, {pipeline_mode = #tpu.pipeline_mode<synchronous>, transform_indices = @transform_7, window_bounds = array<i64: 1, 128>}, {transform_indices = @transform_8, window_bounds = array<i64: 1024, 128>}, {transform_indices = @transform_9, window_bounds = array<i64: 1024, 128>}]} {
    %get3A = arith.constant 0 : index
    %get3A_0 = arith.constant 0 : index
    %get3A_1 = vector.load %arg3[%get3A, %get3A_0] : memref<1024x1xf32, #tpu.memory_space<vmem>>, vector<1024x1xf32>
    %get3A_2 = arith.constant 0 : index
    %get3A_3 = arith.constant 0 : index
    %get3A_4 = vector.load %arg4[%get3A_2, %get3A_3] : memref<1024x1xf32, #tpu.memory_space<vmem>>, vector<1024x1xf32>
    %add3A = arith.addf %get3A_1, %get3A_4 : vector<1024x1xf32>
    %max3A = arith.constant 1.000000e+00 : f32
    %max3A_5 = vector.broadcast %max3A : f32 to vector<1024x1xf32>
    %max3A_6 = arith.maximumf %add3A, %max3A_5 : vector<1024x1xf32>
    %div3A = arith.constant 1.000000e+00 : f32
    %div3A_7 = vector.broadcast %div3A : f32 to vector<1024x1xf32>
    %div3A_8 = arith.divf %div3A_7, %max3A_6 : vector<1024x1xf32>
    %get3A_9 = arith.constant 0 : index
    %get3A_10 = arith.constant 0 : index
    %get3A_11 = vector.load %arg1[%get3A_9, %get3A_10] : memref<1024x128xf32, #tpu.memory_space<vmem>>, vector<1024x128xf32>
    %get3A_12 = arith.constant 0 : index
    %get3A_13 = arith.constant 0 : index
    %get3A_14 = vector.load %arg2[%get3A_12, %get3A_13] : memref<1024x128xf32, #tpu.memory_space<vmem>>, vector<1024x128xf32>
    %add3A_15 = arith.addf %get3A_11, %get3A_14 : vector<1024x128xf32>
    %mul3A = vector.broadcast %div3A_8 : vector<1024x1xf32> to vector<1024x128xf32>
    %mul3A_16 = arith.mulf %add3A_15, %mul3A : vector<1024x128xf32>
    %get3A_17 = arith.constant 0 : index
    %get3A_18 = arith.constant 0 : index
    %get3A_19 = vector.load %arg5[%get3A_17, %get3A_18] : memref<1024x128xf32, #tpu.memory_space<vmem>>, vector<1024x128xf32>
    %add3A_20 = arith.addf %mul3A_16, %get3A_19 : vector<1024x128xf32>
    %max3A_21 = arith.constant 0.000000e+00 : f32
    %max3A_22 = vector.broadcast %max3A_21 : f32 to vector<1024x128xf32>
    %max3A_23 = arith.maximumf %add3A_20, %max3A_22 : vector<1024x128xf32>
    %get3A_24 = arith.constant 0 : index
    %get3A_25 = arith.constant 0 : index
    %get3A_26 = vector.load %arg6[%get3A_24, %get3A_25] : memref<128x128xf32, #tpu.memory_space<vmem>>, vector<128x128xf32>
    %dot_general3A = arith.constant dense<0.000000e+00> : vector<1024x128xf32>
    %dot_general3A_27 = tpu.matmul %max3A_23, %get3A_26, %dot_general3A {dimension_numbers = #tpu.dot_dimension_numbers<[1], [1], [0], [0], [0, 0, 1, 0], [], []>, transpose_lhs_hint = false} : vector<1024x128xf32>, vector<128x128xf32>, vector<1024x128xf32> -> vector<1024x128xf32>
    %swap3A = arith.constant 0 : index
    %swap3A_28 = arith.constant 0 : index
    %swap3A_29 = vector.load %arg9[%swap3A, %swap3A_28] : memref<1024x128xf32, #tpu.memory_space<vmem>>, vector<1024x128xf32>
    tpu.vector_store %arg9[%swap3A, %swap3A_28], %dot_general3A_27 {strides = array<i32>} : memref<1024x128xf32, #tpu.memory_space<vmem>>, vector<1024x128xf32>,
    %get3A_30 = arith.constant 0 : index
    %get3A_31 = arith.constant 0 : index
    %get3A_32 = vector.load %arg7[%get3A_30, %get3A_31] : memref<128x128xf32, #tpu.memory_space<vmem>>, vector<128x128xf32>
    %dot_general3A_33 = arith.constant dense<0.000000e+00> : vector<1024x128xf32>
    %dot_general3A_34 = tpu.matmul %max3A_23, %get3A_32, %dot_general3A_33 {dimension_numbers = #tpu.dot_dimension_numbers<[1], [1], [0], [0], [0, 0, 1, 0], [], []>, transpose_lhs_hint = false} : vector<1024x128xf32>, vector<128x128xf32>, vector<1024x128xf32> -> vector<1024x128xf32>
    %get3A_35 = arith.constant 0 : index
    %get3A_36 = arith.constant 0 : index
    %get3A_37 = vector.load %arg8[%get3A_35, %get3A_36] : memref<1x128xf32, #tpu.memory_space<vmem>>, vector<1x128xf32>
    %add3A_38 = vector.broadcast %get3A_37 : vector<1x128xf32> to vector<1024x128xf32>
    %add3A_39 = arith.addf %dot_general3A_34, %add3A_38 : vector<1024x128xf32>
    %swap3A_40 = arith.constant 0 : index
    %swap3A_41 = arith.constant 0 : index
    %swap3A_42 = vector.load %arg10[%swap3A_40, %swap3A_41] : memref<1024x128xf32, #tpu.memory_space<vmem>>, vector<1024x128xf32>
    tpu.vector_store %arg10[%swap3A_40, %swap3A_41], %add3A_39 {strides = array<i32>} : memref<1024x128xf32, #tpu.memory_space<vmem>>, vector<1024x128xf32>,
    return
  }
  func.func @transform_0(%arg0: i32) -> (i32, i32) {
    %c0_i32 = arith.constant 0 : i32
    %c0_i32_0 = arith.constant 0 : i32
    return %arg0, %c0_i32 : i32, i32
  }
  func.func @transform_1(%arg0: i32) -> (i32, i32) {
    %c0_i32 = arith.constant 0 : i32
    %c0_i32_0 = arith.constant 0 : i32
    return %arg0, %c0_i32 : i32, i32
  }
  func.func @transform_2(%arg0: i32) -> (i32, i32) {
    %c0_i32 = arith.constant 0 : i32
    %c0_i32_0 = arith.constant 0 : i32
    return %arg0, %c0_i32 : i32, i32
  }
  func.func @transform_3(%arg0: i32) -> (i32, i32) {
    %c0_i32 = arith.constant 0 : i32
    %c0_i32_0 = arith.constant 0 : i32
    return %arg0, %c0_i32 : i32, i32
  }
  func.func @transform_4(%arg0: i32) -> (i32, i32) {
    %c0_i32 = arith.constant 0 : i32
    %c0_i32_0 = arith.constant 0 : i32
    return %arg0, %c0_i32 : i32, i32
  }
  func.func @transform_5(%arg0: i32) -> (i32, i32) {
    %c0_i32 = arith.constant 0 : i32
    %c0_i32_0 = arith.constant 0 : i32
    %c0_i32_1 = arith.constant 0 : i32
    return %c0_i32, %c0_i32_0 : i32, i32
  }
  func.func @transform_6(%arg0: i32) -> (i32, i32) {
    %c0_i32 = arith.constant 0 : i32
    %c0_i32_0 = arith.constant 0 : i32
    %c0_i32_1 = arith.constant 0 : i32
    return %c0_i32, %c0_i32_0 : i32, i32
  }
  func.func @transform_7(%arg0: i32) -> (i32, i32) {
    %c0_i32 = arith.constant 0 : i32
    %c0_i32_0 = arith.constant 0 : i32
    %c0_i32_1 = arith.constant 0 : i32
    return %c0_i32, %c0_i32_0 : i32, i32
  }
  func.func @transform_8(%arg0: i32) -> (i32, i32) {
    %c0_i32 = arith.constant 0 : i32
    %c0_i32_0 = arith.constant 0 : i32
    return %arg0, %c0_i32 : i32, i32
  }
  func.func @transform_9(%arg0: i32) -> (i32, i32) {
    %c0_i32 = arith.constant 0 : i32
    %c0_i32_0 = arith.constant 0 : i32
    return %arg0, %c0_i32 : i32, i32
  }
}

module attributes {stable_mosaic.version = 14 : i64} {
  func.func @_fin_body(%arg0: i32, %arg1: memref<1024x128xf32, #tpu.memory_space<vmem>>, %arg2: memref<1024x128xf32, #tpu.memory_space<vmem>>, %arg3: memref<1024x1xf32, #tpu.memory_space<vmem>>, %arg4: memref<1024x1xf32, #tpu.memory_space<vmem>>, %arg5: memref<1024x128xf32, #tpu.memory_space<vmem>>, %arg6: memref<1024x128xf32, #tpu.memory_space<vmem>>) attributes {dimension_semantics = [#tpu.dimension_semantics<arbitrary>], iteration_bounds = array<i64: 10>, scalar_prefetch = 0 : i64, scratch_operands = 0 : i64, tpu.core_type = #tpu.core_type<tc>, window_params = [{transform_indices = @transform_0, window_bounds = array<i64: 1024, 128>}, {transform_indices = @transform_1, window_bounds = array<i64: 1024, 128>}, {transform_indices = @transform_2, window_bounds = array<i64: 1024, 1>}, {transform_indices = @transform_3, window_bounds = array<i64: 1024, 1>}, {transform_indices = @transform_4, window_bounds = array<i64: 1024, 128>}, {transform_indices = @transform_5, window_bounds = array<i64: 1024, 128>}]} {
    %get3A = arith.constant 0 : index
    %get3A_0 = arith.constant 0 : index
    %get3A_1 = vector.load %arg3[%get3A, %get3A_0] : memref<1024x1xf32, #tpu.memory_space<vmem>>, vector<1024x1xf32>
    %get3A_2 = arith.constant 0 : index
    %get3A_3 = arith.constant 0 : index
    %get3A_4 = vector.load %arg4[%get3A_2, %get3A_3] : memref<1024x1xf32, #tpu.memory_space<vmem>>, vector<1024x1xf32>
    %add3A = arith.addf %get3A_1, %get3A_4 : vector<1024x1xf32>
    %max3A = arith.constant 1.000000e+00 : f32
    %max3A_5 = vector.broadcast %max3A : f32 to vector<1024x1xf32>
    %max3A_6 = arith.maximumf %add3A, %max3A_5 : vector<1024x1xf32>
    %div3A = arith.constant 1.000000e+00 : f32
    %div3A_7 = vector.broadcast %div3A : f32 to vector<1024x1xf32>
    %div3A_8 = arith.divf %div3A_7, %max3A_6 : vector<1024x1xf32>
    %get3A_9 = arith.constant 0 : index
    %get3A_10 = arith.constant 0 : index
    %get3A_11 = vector.load %arg1[%get3A_9, %get3A_10] : memref<1024x128xf32, #tpu.memory_space<vmem>>, vector<1024x128xf32>
    %get3A_12 = arith.constant 0 : index
    %get3A_13 = arith.constant 0 : index
    %get3A_14 = vector.load %arg2[%get3A_12, %get3A_13] : memref<1024x128xf32, #tpu.memory_space<vmem>>, vector<1024x128xf32>
    %add3A_15 = arith.addf %get3A_11, %get3A_14 : vector<1024x128xf32>
    %mul3A = vector.broadcast %div3A_8 : vector<1024x1xf32> to vector<1024x128xf32>
    %mul3A_16 = arith.mulf %add3A_15, %mul3A : vector<1024x128xf32>
    %get3A_17 = arith.constant 0 : index
    %get3A_18 = arith.constant 0 : index
    %get3A_19 = vector.load %arg5[%get3A_17, %get3A_18] : memref<1024x128xf32, #tpu.memory_space<vmem>>, vector<1024x128xf32>
    %add3A_20 = arith.addf %mul3A_16, %get3A_19 : vector<1024x128xf32>
    %swap3A = arith.constant 0 : index
    %swap3A_21 = arith.constant 0 : index
    %swap3A_22 = vector.load %arg6[%swap3A, %swap3A_21] : memref<1024x128xf32, #tpu.memory_space<vmem>>, vector<1024x128xf32>
    tpu.vector_store %arg6[%swap3A, %swap3A_21], %add3A_20 {strides = array<i32>} : memref<1024x128xf32, #tpu.memory_space<vmem>>, vector<1024x128xf32>,
    return
  }
  func.func @transform_0(%arg0: i32) -> (i32, i32) {
    %c0_i32 = arith.constant 0 : i32
    %c0_i32_0 = arith.constant 0 : i32
    return %arg0, %c0_i32 : i32, i32
  }
  func.func @transform_1(%arg0: i32) -> (i32, i32) {
    %c0_i32 = arith.constant 0 : i32
    %c0_i32_0 = arith.constant 0 : i32
    return %arg0, %c0_i32 : i32, i32
  }
  func.func @transform_2(%arg0: i32) -> (i32, i32) {
    %c0_i32 = arith.constant 0 : i32
    %c0_i32_0 = arith.constant 0 : i32
    return %arg0, %c0_i32 : i32, i32
  }
  func.func @transform_3(%arg0: i32) -> (i32, i32) {
    %c0_i32 = arith.constant 0 : i32
    %c0_i32_0 = arith.constant 0 : i32
    return %arg0, %c0_i32 : i32, i32
  }
  func.func @transform_4(%arg0: i32) -> (i32, i32) {
    %c0_i32 = arith.constant 0 : i32
    %c0_i32_0 = arith.constant 0 : i32
    return %arg0, %c0_i32 : i32, i32
  }
  func.func @transform_5(%arg0: i32) -> (i32, i32) {
    %c0_i32 = arith.constant 0 : i32
    %c0_i32_0 = arith.constant 0 : i32
    return %arg0, %c0_i32 : i32, i32
  }
}

</mosaic_0001>

<sc_bundles>
// kernel: kernel.10.cloned.1.call-start
scs
__scs_entry_jumppad:
0x0: {  	(pc) =	sbr.rel $0x88, $3  }
0x1: {  	(tag) =	ssettag $0x0;
	lr =	simm.s32 $0x1  }
0x2: {  	[smem:$0x3F99] =	sst lr;
	_ =	strace $0xD0000000  }
0x3: {  	_ = 	snop  }
0x4: {  	_ = 	snop  }
0x5: {  	_ = 	snop  }
0x6: {  	_ = 	snop  }
0x7: {  	_ = 	snop  }
__scs_overlays_trampoline_lowered:
0x8: {  	[smem:$0x3FA8] =	sst s0  }
0x9: {  	[smem:$0x3FA9] =	sst s1  }
0xa: {  	[smem:$0x3FAA] =	sst s2  }
0xb: {  	[smem:$0x3FAB] =	sst s3  }
0xc: {  	[smem:$0x3FAC] =	sst s4  }
0xd: {  	[smem:$0x3FAD] =	sst s5  }
0xe: {  	[smem:$0x3FAE] =	sst s6  }
0xf: {  	[smem:$0x3FAF] =	sst s7  }
0x10: {  	[smem:$0x3FB0] =	sst s8  }
0x11: {  	[smem:$0x3FB1] =	sst s9;
	s0 =	simm.s32 @!p0 $0x0  }
0x12: {  	s1 =	sld [smem:$0x3F97];
	s0 =	simm.s32 @p0 $0x1  }
0x13: {  	[smem:$0x3FB2] =	sst s0;
	s0 =	simm.s32 @!p1 $0x0  }
0x14: {  	s2 =	sld [smem:$0x3F96];
	s0 =	simm.s32 @p1 $0x1  }
0x15: {  	[smem:$0x3FB3] =	sst s0;
	s0 =	simm.s32 @!p2 $0x0  }
0x16: {  	s3 =	sld [smem:$0x3FDB];
	s0 =	simm.s32 @p2 $0x1  }
0x17: {  	s4 =	simm.s32 $0x1BF5;
	[smem:$0x3FB5] =	sst s0  }
0x18: {  	s0 =	sld [smem:$0x3F98];
	_ =	swait.ge [sflag:s4], $0x0  }
0x19: {  	s7 =	sld [smem:$0x3F99]  }
0x1a: {  	s8 =	sadd.s32 $0xFFFFE003, lr  }
0x1b: {  	s9 =	sadd.s32 $0xFFFFFEF7, lr;
	s5 =	simm.s32 $0xFFFFFFFF;
	p2 =	slt.u32 s8, $0xFFFFF086  }
0x1c: {  	p1 =	slt.u32 s9, $0xF7A;
	s5 =	simm.s32 @!p2 $0x0  }
0x1d: {  	s5 =	simm.s32 @p1 $0x1;
	p0 =	seq.s32 s7, s2  }
0x1e: {  	s7 =	smul.u32 @!p0 $0xF7A, s2;
	p2 =	seq.s32 @!p0 s5, $0x0  }
0x1f: {  	s9 =	smul.u32 $0xF7A, s1;
	s8 =	simm.s32 @!p0 $0x1BF5;
	p2 =	por !p2, p0  }
0x20: {  	[sflag:s8] =	ssyncset.s32 @!p0 $0xFFFFF086;
	s6 =	sadd.s32 @!p0 s3, s7;
	s7 =	simm.s32 @!p0 $0x108  }
0x21: {  	s3 =	sadd.s32 s3, s9;
	s6 =	sadd.s32 @!p0 $0x88, s6;
	s7 =	simm.s32 @p2 $0x1082  }
0x22: {  	[simem:s7], [sflag:s8] =	dma.local @!p0 [hbm:s6], $0xF7A  }
0x23: {  	s9 =	sor.u32 $0xD0000000, s2;
	s6 =	simm.s32 $0x108;
	_ =	swait.ge @!p0 [sflag:s8], $0x0  }
0x24: {  	s3 =	sadd.s32 $0x88, s3;
	s6 =	simm.s32 @!p1 $0x1082;
	[sflag:s4] =	ssyncset.s32 $0xFFFFF086  }
0x25: {  	[simem:s6], [sflag:s4] =	dma.local [hbm:s3], $0xF7A  }
0x26: {  	[smem:$0x3F99] =	sst s1;
	(tag) =	ssettag s2;
	_ =	strace s9  }
0x27: {  	s1 =	sld [smem:$0x3FA9]  }
0x28: {  	s2 =	sld [smem:$0x3FAA]  }
0x29: {  	s4 =	sld [smem:$0x3FAC]  }
0x2a: {  	p0 =	seq.s32 s5, $0x0;
	s5 =	sld [smem:$0x3FAD]  }
0x2b: {  	s6 =	sld [smem:$0x3FAE]  }
0x2c: {  	s7 =	sld [smem:$0x3FAF]  }
0x2d: {  	s3 =	simm.s32 $0x108;
	s8 =	sld [smem:$0x3FB0]  }
0x2e: {  	s3 =	simm.s32 @!p0 $0x1082;
	s9 =	sld [smem:$0x3FB1]  }
0x2f: {  	lr =	sadd.s32 s0, s3;
	s0 =	sld [smem:$0x3FA8]  }
0x30: {  	s3 =	sld [smem:$0x3FAB]  }
0x31: {  	[smem:$0x3FB4] =	sst s10  }
0x32: {  	s10 =	sld [smem:$0x3FB2];
	_ =	sdelay $0x3  }
0x33: {  	p0 =	seq.s32 s10, $0x1;
	s10 =	sld [smem:$0x3FB4];
	_ =	sdelay $0x3  }
0x34: {  	[smem:$0x3FB4] =	sst s10  }
0x35: {  	s10 =	sld [smem:$0x3FB3];
	_ =	sdelay $0x3  }
0x36: {  	p1 =	seq.s32 s10, $0x1;
	s10 =	sld [smem:$0x3FB4];
	_ =	sdelay $0x3  }
0x37: {  	[smem:$0x3FB4] =	sst s10  }
0x38: {  	s10 =	sld [smem:$0x3FB5]  }
0x39: {  	_ = 	snop;
	(pc) =	sbr.ind lr, $3  }
0x3a: {  	_ = 	snop  }
0x3b: {  	_ = 	snop  }
0x3c: {  	p2 =	seq.s32 s10, $0x1;
	s10 =	sld [smem:$0x3FB4]  }
0x3d: {  	_ =	shalt  }
0x3e: {  	_ =	shalt  }
0x3f: {  	_ =	shalt  }
0x40: {  	_ =	shalt  }
0x41: {  	_ =	shalt  }
0x42: {  	_ =	shalt  }
0x43: {  	_ =	shalt  }
0x44: {  	_ =	shalt  }
0x45: {  	_ =	shalt  }
0x46: {  	_ =	shalt  }
0x47: {  	_ =	shalt  }
0x48: {  	_ =	shalt  }
0x49: {  	_ =	shalt  }
0x4a: {  	_ =	shalt  }
0x4b: {  	_ =	shalt  }
0x4c: {  	_ =	shalt  }
0x4d: {  	_ =	shalt  }
0x4e: {  	_ =	shalt  }
0x4f: {  	_ =	shalt  }
0x50: {  	_ =	shalt  }
0x51: {  	_ =	shalt  }
0x52: {  	_ =	shalt  }
0x53: {  	_ =	shalt  }
0x54: {  	_ =	shalt  }
0x55: {  	_ =	shalt  }
0x56: {  	_ =	shalt  }
0x57: {  	_ =	shalt  }
0x58: {  	_ =	shalt  }
0x59: {  	_ =	shalt  }
0x5a: {  	_ =	shalt  }
0x5b: {  	_ =	shalt  }
0x5c: {  	_ =	shalt  }
0x5d: {  	_ =	shalt  }
0x5e: {  	_ =	shalt  }
0x5f: {  	_ =	shalt  }
0x60: {  	_ =	shalt  }
0x61: {  	_ =	shalt  }
0x62: {  	_ =	shalt  }
0x63: {  	_ =	shalt  }
0x64: {  	_ =	shalt  }
0x65: {  	_ =	shalt  }
0x66: {  	_ =	shalt  }
0x67: {  	_ =	shalt  }
0x68: {  	_ =	shalt  }
0x69: {  	_ =	shalt  }
0x6a: {  	_ =	shalt  }
0x6b: {  	_ =	shalt  }
0x6c: {  	_ =	shalt  }
0x6d: {  	_ =	shalt  }
0x6e: {  	_ =	shalt  }
0x6f: {  	_ =	shalt  }
0x70: {  	_ =	shalt  }
0x71: {  	_ =	shalt  }
0x72: {  	_ =	shalt  }
0x73: {  	_ =	shalt  }
0x74: {  	_ =	shalt  }
0x75: {  	_ =	shalt  }
0x76: {  	_ =	shalt  }
0x77: {  	_ =	shalt  }
0x78: {  	_ =	shalt  }
0x79: {  	_ =	shalt  }
0x7a: {  	_ =	shalt  }
0x7b: {  	_ =	shalt  }
0x7c: {  	_ =	shalt  }
0x7d: {  	_ =	shalt  }
0x7e: {  	_ =	shalt  }
0x7f: {  	_ =	shalt  }
0x80: {  	_ =	shalt  }
0x81: {  	_ =	shalt  }
0x82: {  	_ =	shalt  }
0x83: {  	_ =	shalt  }
0x84: {  	_ =	shalt  }
0x85: {  	_ =	shalt  }
0x86: {  	_ =	shalt  }
0x87: {  	_ =	shalt  }
.Lfunc_end0:
.L_simem_size_0:
called_computation.1_lowered:
.L_overlay_start_0:
0x88: {  	s2 =	sld [smem:$0x3FD9]  }
0x89: {  	s3 =	sld [smem:$0x3FFE];
	_ =	sdelay $0x1  }
0x8a: {  	s1 =	srdreg.scid  }
0x8b: {  	s0 =	sand.u32 $0x1, s1  }
0x8c: {  	s17 =	sshll.u32 s0, $0xA;
	s2 =	sadd.s32 s3, s2  }
0x8d: {  	s2 =	sadd.s32 s2, s17  }
0x8e: {  	[smem:$0x3FC0] =	sst s2  }
0x8f: {  	_ = 	snop  }
0x90: {  	s2 =	sld [smem:$0x3FD0];
	(tm) =	ssettm $0x1  }
0x91: {  	s18 =	sld [smem:$0x3FFB];
	_ =	sdelay $0x3  }
0x92: {  	_ =	strace s18  }
0x93: {  	s3 =	sld [smem:$0x3FFC];
	_ =	sdelay $0x3  }
0x94: {  	_ =	strace s3  }
0x95: {  	s3 =	sld [smem:$0x3FFD];
	_ =	sdelay $0x3  }
0x96: {  	_ =	strace s3  }
0x97: {  	_ =	strace $0x8FFFFFFF  }
0x98: {  	s19 =	sld [smem:$0x3FDB];
	_ =	sdelay $0x1  }
0x99: {  	s4 =	simm.s32 $_scs_section_size  }
0x9a: {  	s5 =	simm.s32 $_size__tile_overlayer_lowered;
	s6 =	simm.s32 $_tile_overlayer_lowered  }
0x9b: {  	s22 =	simm.s32 $0x1BFF;
	s21 =	sshll.u32 s6, $0x1;
	s3 =	sadd.s32 s4, s19  }
0x9c: {  	s7 =	simm.s32 $0x0;
	s20 =	sshll.u32 s5, $0x1;
	s5 =	sadd.s32 s21, s3  }
0x9d: {  	[timem:s7], [sflag:s22] =	dma.local [hbm:s5], s20  }
0x9e: {  	_ =	swait.ge [sflag:s22], s20  }
0x9f: {  	s4 =	ssub.s32 $0x0, s20;
	[sflag:s22] =	ssyncset.done $0x0  }
0xa0: {  	[sflag:s22] =	ssyncadd.s32 s4;
	_ =	sdelay $0x1  }
0xa1: {  	s23 =	simm.s32 $0x1B8B  }
0xa2: {  	_ =	swait.ge [sflag:s23], $0x1  }
0xa3: {  	[sflag:s23] =	ssyncset.done $0x0  }
0xa4: {  	s25 =	simm.s32 $0x1B8E;
	s24 =	sld [smem:$0x3FFE];
	[sflag:s23] =	ssyncadd.s32 $0xFFFFFFFF  }
0xa5: {  	s26 =	simm.s32 $execute0_lowered;
	[smem:$0x3FD2] =	sst s25  }
0xa6: {  	s5 =	sshll.u32 s26, $0x1;
	_ =	strace $0x80000049;
	[dreg:$0x1] =	wrdreg $0xFFFFFFFF  }
0xa7: {  	s28 =	simm.s32 $_size_execute0_lowered;
	s3 =	sadd.s32 s3, s5;
	[dreg:$0x0] =	wrdreg $0x0  }
0xa8: {  	s5 =	sshll.u32 s28, $0x1;
	[dreg:$0x2] =	wrdreg s3  }
0xa9: {  	[dreg:$0x3] =	wrdreg s5  }
0xaa: {  	[dreg:$0x4] =	wrdreg $0xC0  }
0xab: {  	_ =	task [dreg:s7], $0x5FFFF  }
0xac: {  	[dreg:$0x1] =	wrdreg $0xFFFFFFFF  }
0xad: {  	[dreg:$0x0] =	wrdreg $0x60  }
0xae: {  	[dreg:$0x2] =	wrdreg s24  }
0xaf: {  	[dreg:$0x3] =	wrdreg s2  }
0xb0: {  	[dreg:$0x4] =	wrdreg $0x41000  }
0xb1: {  	[dreg:$0x5] =	wrdreg $0x9  }
0xb2: {  	_ =	task.clear_ibuf [dreg:s7], $0x6FFFF;
	_ =	strace $0x90000049  }
0xb3: {  	s29 =	simm.s32 $0x9;
	_ =	strace $0x8000004B  }
0xb4: {  	_ =	swait.ge [sflag:s29], $0x1  }
0xb5: {  	[sflag:s29] =	ssyncadd.s32 $0xFFFFFFFF  }
0xb6: {  	_ =	strace $0x9000004B  }
0xb7: {  	_ =	sfence  }
0xb8: {  	s30 =	sld [smem:$0x0];
	_ =	sdelay $0x2  }
0xb9: {  	s31 =	sshll.u32 s1, $0xD;
	s1 =	sshrl.u32 s1, $0x2  }
0xba: {  	s3 =	sand.u32 $0x4000, s31;
	s1 =	sadd.s32 s1, s30  }
0xbb: {  	s0 =	sor.u32 s3, s0;
	s1 =	sshll.u32 s1, $0x11  }
0xbc: {  	s0 =	sor.u32 s1, s0  }
0xbd: {  	s0 =	sadd.s32 $0x8F2B, s0  }
0xbe: {  	[sflag:s0] =	ssyncadd.remote.s32 $0x1  }
0xbf: {  	_ =	sfence.sel $0xFFFF  }
0xc0: {  	[dreg:$0x0] =	wrdreg $0xFFFFFFFF;
	(pc) =	sbr.abs _section_cstart, $3  }
0xc1: {  	[dreg:$0x1] =	wrdreg $0xFFFFFFFF  }
0xc2: {  	_ =	task.clear_ibuf [dreg:s7], $0x2FFFF;
	_ =	strace $0x9FFFFFFF  }
0xc3: {  	(tm) =	ssettm $0x7FFFFFFF  }
tec
execute0_lowered:
.L_overlay_start_1:
0x0: {  	(tag) =	ssettag $0x1  }
0x1: {  	s11 =	rddreg [dreg:$0x0]  }
0x2: {  	s12 =	rddreg [dreg:$0x1]  }
0x3: {  	s2 =	rddreg [dreg:$0x2]  }
0x4: {  	s0 =	rddreg [dreg:$0x3];
	s3 =	simm.s32 $0x0;
	s1 =	stileid.u32  }
0x5: {  	s4 =	srdreg.scid;
	s16 =	simm.s32 $0xD5C00;
	s5 =	smul.u32 $0x50000, s1  }
0x6: {  	s19 =	simm.s32 $0x0;
	[smem:$0x7FF] =	sst s3;
	s15 =	smul.u32 $0x2800, s1  }
0x7: {  	s8 =	sand.u32 $0x1, s4;
	s4 =	sadd.s32 $0x35000, s11;
	s17 =	smul.u32 $0x4F0, s1  }
0x8: {  	s18 =	sshll.u32 s1, $0x6;
	_ =	strace $0x8000004A;
	s13 =	smul.u32 $0x4F00, s8  }
0x9: {  	s6 =	ssub.s32 $0x2, s8;
	p0 =	seq.s32 s8, $0x1;
	s18 =	sor.u32 $0x1C02, s18  }
0xa: {  	s5 =	sshrl.u32 s5, $0x2;
	s7 =	sshrl.u32 s6, $0x1;
	s16 =	simm.s32 @!p0 $0x85000  }
0xb: {  	s14 =	sadd.s32 s13, s11;
	s5 =	sadd.s32 s5, s2;
	s10 =	ssub.s32 s6, s7  }
0xc: {  	s11 =	sadd.s32 s16, s11;
	s13 =	sadd.s32 s13, s12;
	s16 =	simm.s32 $0x80  }
0xd: {  	s6 =	sadd.s32 $0x4000, s5;
	s7 =	sadd.s32 $0x8000, s5;
	s8 =	sadd.s32 $0xC000, s5  }
0xe: {  	s9 =	sadd.s32 $0x10000, s5;
	s10 =	smax.u32 s10, $0x1;
	s11 =	sadd.s32 s11, s15  }
0xf: {  	s14 =	sadd.s32 s17, s14;
	s13 =	sadd.s32 s17, s13;
	s15 =	simm.s32 $0x2  }
0x10: {  	v0 =	vimm.f32 $0.0e+00;
	s17 =	simm.s32 $0x1;
	s12 =	sadd.s32 $0x3200, s14;
	s14 =	simm.s32 $0x100  }
.LBB2_1:
0x11: {  	s20 =	sand.u32 $0xFE00, s3  }
0x12: {  	s21 =	sand.u32 $0x70, s3;
	s22 =	sshrl.u32 s20, $0x2  }
0x13: {  	s20 =	simm.s32 $0x40;
	s22 =	sor.u32 s21, s22;
	s21 =	simm.s32 $0x0  }
.LBB2_2:
0x14: {  	p0 =	sne.s32 s20, $0xFFC0  }
0x15: {  	[tilespmem:s22+$0x100] =	vst v0;
	s21 =	sadd.s32 $0x10, s21;
	s22 =	smov.u32 s20;
	s20 =	sadd.s32 $0x40, s20  }
.Ltmp0:
0x16: {  	(pc) =	sbr.rel @p0 .LBB2_2-.Ltmp0, $4  }
0x17: {  	_ = 	snop  }
0x18: {  	s22 =	sand.u32 $0xFE00, s22  }
0x19: {  	s23 =	sand.u32 $0x70, s21;
	s22 =	sshrl.u32 s22, $0x2  }
0x1a: {  	s22 =	sor.u32 s23, s22  }
0x1b: {  	[tilespmem:s22+$0x100] =	vst v0  }
0x1c: {  	[spmem:s5] =	stream.linear.scatter [tilespmem:s14], [sflag:$0x2], $0x4000, $0x38;
	[tilespmem:$0x18100] =	vst v63  }
0x1d: {  	_ =	swait.ge [sflag:s15], $0x4000  }
0x1e: {  	[sflag:s15] =	ssyncset.done $0x0  }
0x1f: {  	[sflag:s15] =	ssyncadd.s32 $0xFFFFC000  }
0x20: {  	[spmem:s6] =	stream.linear.scatter [tilespmem:s14], [sflag:$0x2], $0x4000, $0x38;
	[tilespmem:$0x18100] =	vst v63  }
0x21: {  	_ =	swait.ge [sflag:s15], $0x4000  }
0x22: {  	[sflag:s15] =	ssyncset.done $0x0  }
0x23: {  	[sflag:s15] =	ssyncadd.s32 $0xFFFFC000  }
0x24: {  	[spmem:s7] =	stream.linear.scatter [tilespmem:s14], [sflag:$0x2], $0x4000, $0x38;
	[tilespmem:$0x18100] =	vst v63  }
0x25: {  	_ =	swait.ge [sflag:s15], $0x4000  }
0x26: {  	[sflag:s15] =	ssyncset.done $0x0  }
0x27: {  	[sflag:s15] =	ssyncadd.s32 $0xFFFFC000  }
0x28: {  	[spmem:s8] =	stream.linear.scatter [tilespmem:s14], [sflag:$0x2], $0x4000, $0x38;
	[tilespmem:$0x18100] =	vst v63  }
0x29: {  	_ =	swait.ge [sflag:s15], $0x4000  }
0x2a: {  	[sflag:s15] =	ssyncset.done $0x0  }
0x2b: {  	[sflag:s15] =	ssyncadd.s32 $0xFFFFC000  }
0x2c: {  	[spmem:s9] =	stream.linear.scatter [tilespmem:s14], [sflag:$0x2], $0x4000, $0x38;
	[tilespmem:$0x18100] =	vst v63  }
0x2d: {  	_ =	swait.ge [sflag:s15], $0x4000  }
0x2e: {  	[sflag:s15] =	ssyncset.done $0x0  }
0x2f: {  	[sflag:s15] =	ssyncadd.s32 $0xFFFFC000  }
0x30: {  	s20 =	sadd.s32 $0x0, s13;
	[bflag:$0x0] =	sbarrier.arrive $0xFFFF  }
0x31: {  	[tilespmem:s3], [sflag:$0x2] =	stream.linear.gather [hbm4b:s20+s3], $0x80, $0x38;
	[tilespmem:$0x18100] =	vst v63  }
0x32: {  	_ =	swait.ge [sflag:s15], $0x80  }
0x33: {  	[sflag:s15] =	ssyncset.done $0x0  }
0x34: {  	s31 =	sadd.s32 $0x0, s12;
	[sflag:s15] =	ssyncadd.s32 $0xFFFFFF80  }
0x35: {  	[tilespmem:s16], [sflag:$0x2] =	stream.linear.gather [hbm4b:s31+s3], $0x80, $0x38;
	[tilespmem:$0x18100] =	vst v63  }
0x36: {  	_ =	swait.ge [sflag:s15], $0x80  }
0x37: {  	[sflag:s15] =	ssyncset.done $0x0  }
0x38: {  	[sflag:s15] =	ssyncadd.s32 $0xFFFFFF80  }
0x39: {  	[tilespmem:s14], [sflag:$0x1] =	stream.indirect.gather [hbm4b:s4+s16], $0x80, s3, s16, $0xb8;
	[tilespmem:$0x18100] =	vst v63  }
0x3a: {  	_ =	swait.ge [sflag:s17], $0x4000  }
0x3b: {  	[sflag:s17] =	ssyncset.done $0x0  }
0x3c: {  	[sflag:s17] =	ssyncadd.s32 $0xFFFFC000  }
0x3d: {  	[spmem:s2] =	stream.indirect.scatter.add.f32 [tilespmem:s14], [sflag:$0x2], $0x80, s16, s16, $0xb8;
	[tilespmem:$0x18100] =	vst v63  }
0x3e: {  	_ =	swait.ge [sflag:s15], $0x4000  }
0x3f: {  	s21 =	simm.s32 $0x20;
	s20 =	simm.s32 $0x10;
	[sflag:s15] =	ssyncset.done $0x0  }
.LBB2_4:
0x40: {  	s22 =	sadd.s32 s20, s13  }
0x41: {  	[sflag:s15] =	ssyncadd.s32 $0xFFFFC000;
	s23 =	smov.u32 s21;
	s24 =	sadd.s32 $0x10, s21  }
0x42: {  	[tilespmem:s3], [sflag:$0x2] =	stream.linear.gather [hbm4b:s22+s3], $0x80, $0x38;
	[tilespmem:$0x18100] =	vst v63  }
0x43: {  	p0 =	sne.s32 s21, $0x4E0;
	_ =	swait.ge [sflag:s15], $0x80  }
0x44: {  	[sflag:s15] =	ssyncset.done $0x0  }
0x45: {  	s21 =	sadd.s32 s20, s12;
	s20 =	smov.u32 s23;
	[sflag:s15] =	ssyncadd.s32 $0xFFFFFF80  }
0x46: {  	[tilespmem:s16], [sflag:$0x2] =	stream.linear.gather [hbm4b:s21+s3], $0x80, $0x38;
	[tilespmem:$0x18100] =	vst v63  }
0x47: {  	_ =	swait.ge [sflag:s15], $0x80  }
0x48: {  	[sflag:s15] =	ssyncset.done $0x0  }
0x49: {  	[sflag:s15] =	ssyncadd.s32 $0xFFFFFF80  }
0x4a: {  	[tilespmem:s14], [sflag:$0x1] =	stream.indirect.gather [hbm4b:s4+s16], $0x80, s3, s16, $0xb8;
	[tilespmem:$0x18100] =	vst v63  }
0x4b: {  	_ =	swait.ge [sflag:s17], $0x4000  }
.Ltmp1:
0x4c: {  	[sflag:s17] =	ssyncset.done $0x0;
	(pc) =	sbr.rel @p0 .LBB2_4-.Ltmp1, $4  }
0x4d: {  	[sflag:s17] =	ssyncadd.s32 $0xFFFFC000  }
0x4e: {  	[spmem:s2] =	stream.indirect.scatter.add.f32 [tilespmem:s14], [sflag:$0x2], $0x80, s16, s16, $0xb8;
	[tilespmem:$0x18100] =	vst v63  }
0x4f: {  	_ =	swait.ge [sflag:s15], $0x4000  }
0x50: {  	s21 =	smov.u32 s24;
	[sflag:s15] =	ssyncset.done $0x0  }
0x51: {  	s21 =	sadd.s32 s20, s13;
	[sflag:s15] =	ssyncadd.s32 $0xFFFFC000  }
0x52: {  	[tilespmem:s3], [sflag:$0x2] =	stream.linear.gather [hbm4b:s21+s3], $0x80, $0x38;
	[tilespmem:$0x18100] =	vst v63  }
0x53: {  	_ =	swait.ge [sflag:s15], $0x80  }
0x54: {  	[sflag:s15] =	ssyncset.done $0x0  }
0x55: {  	s30 =	sadd.s32 s20, s12;
	[sflag:s15] =	ssyncadd.s32 $0xFFFFFF80  }
0x56: {  	[tilespmem:s16], [sflag:$0x2] =	stream.linear.gather [hbm4b:s30+s3], $0x80, $0x38;
	[tilespmem:$0x18100] =	vst v63  }
0x57: {  	_ =	swait.ge [sflag:s15], $0x80  }
0x58: {  	[sflag:s15] =	ssyncset.done $0x0  }
0x59: {  	[sflag:s15] =	ssyncadd.s32 $0xFFFFFF80  }
0x5a: {  	[tilespmem:s14], [sflag:$0x1] =	stream.indirect.gather [hbm4b:s4+s16], $0x80, s3, s16, $0xb8;
	[tilespmem:$0x18100] =	vst v63  }
0x5b: {  	_ =	swait.ge [sflag:s17], $0x4000  }
0x5c: {  	[sflag:s17] =	ssyncset.done $0x0  }
0x5d: {  	[sflag:s17] =	ssyncadd.s32 $0xFFFFC000  }
0x5e: {  	[spmem:s2] =	stream.indirect.scatter.add.f32 [tilespmem:s14], [sflag:$0x2], $0x80, s16, s16, $0xb8;
	[tilespmem:$0x18100] =	vst v63  }
0x5f: {  	_ =	swait.ge [sflag:s15], $0x4000  }
0x60: {  	s19 =	sadd.s32 $0x1, s19;
	[sflag:s15] =	ssyncset.done $0x0  }
0x61: {  	p0 =	sne.s32 s19, s10;
	[sflag:s15] =	ssyncadd.s32 $0xFFFFC000  }
.Ltmp2:
0x62: {  	s31 =	sshrl.u32 s5, $0x3;
	[bflag:$0x0] =	sbarrier.arrive $0xFFFF;
	(pc) =	sbr.rel @p0 .LBB2_1-.Ltmp2, $4  }
0x63: {  	[hbm:s11], [sflag:s18] =	dma.local [spmem:s31], $0x2800  }
0x64: {  	_ =	swait.ge [sflag:s15], $0x2800  }
0x65: {  	[sflag:s15] =	ssyncset.done $0x0  }
0x66: {  	[sflag:s15] =	ssyncadd.s32 $0xFFFFD800  }
0x67: {  	_ =	sfence.sel $0x180000  }
0x68: {  	[bflag:$0x0] =	sbarrier.arrive $0xFFFF  }
0x69: {  	p0 =	sne.s32 s1, $0x0;
	_ =	strace $0x9000004A  }
0x6a: {  	s0 =	sadd.s32 @!p0 $0x100000, s0;
	[bflag:$0x2] =	sbarrier.arrive $0xFFFF  }
0x6b: {  	[sflag:s0] =	ssyncadd.tile.s32 @!p0 $0x1;
	_ =	shalt  }
.Lfunc_end2:
_tile_overlayer_lowered:
.L_overlay_start_2:
0x6c: {  	(tag) =	ssettag $0x2  }
0x6d: {  	s0 =	rddreg [dreg:$0x0];
	s2 =	stileid.u32  }
0x6e: {  	s1 =	rddreg [dreg:$0x1];
	p0 =	sne.s32 s2, $0x0  }
0x6f: {  	s3 =	rddreg [dreg:$0x2];
	[bflag:$0x3] =	sbarrier.arrive $0xFFFF;
	s2 =	simm.s32 @!p0 $0x1C02  }
0x70: {  	[timem:s3], [sflag:s2] =	dma.local @!p0 [hbm:s0], s1  }
0x71: {  	s0 =	simm.s32 @!p0 $0x2  }
0x72: {  	_ =	swait.ge @!p0 [sflag:s0], s1  }
0x73: {  	s1 =	ssub.s32 @!p0 $0x0, s1;
	[sflag:s0] =	ssyncset.done @!p0 $0x0  }
0x74: {  	[sflag:s0] =	ssyncadd.s32 @!p0 s1  }
0x75: {  	[bflag:$0x3] =	sbarrier.arrive $0xFFFF  }
0x76: {  	_ =	shalt  }

// kernel: kernel.7.cloned.1.call-start
scs
__scs_entry_jumppad:
0x0: {  	(pc) =	sbr.rel $0x88, $3  }
0x1: {  	(tag) =	ssettag $0x0;
	lr =	simm.s32 $0x1  }
0x2: {  	[smem:$0x3F99] =	sst lr;
	_ =	strace $0xD0000000  }
0x3: {  	_ = 	snop  }
0x4: {  	_ = 	snop  }
0x5: {  	_ = 	snop  }
0x6: {  	_ = 	snop  }
0x7: {  	_ = 	snop  }
__scs_overlays_trampoline_lowered:
0x8: {  	[smem:$0x3FA8] =	sst s0  }
0x9: {  	[smem:$0x3FA9] =	sst s1  }
0xa: {  	[smem:$0x3FAA] =	sst s2  }
0xb: {  	[smem:$0x3FAB] =	sst s3  }
0xc: {  	[smem:$0x3FAC] =	sst s4  }
0xd: {  	[smem:$0x3FAD] =	sst s5  }
0xe: {  	[smem:$0x3FAE] =	sst s6  }
0xf: {  	[smem:$0x3FAF] =	sst s7  }
0x10: {  	[smem:$0x3FB0] =	sst s8  }
0x11: {  	[smem:$0x3FB1] =	sst s9;
	s0 =	simm.s32 @!p0 $0x0  }
0x12: {  	s1 =	sld [smem:$0x3F97];
	s0 =	simm.s32 @p0 $0x1  }
0x13: {  	[smem:$0x3FB2] =	sst s0;
	s0 =	simm.s32 @!p1 $0x0  }
0x14: {  	s2 =	sld [smem:$0x3F96];
	s0 =	simm.s32 @p1 $0x1  }
0x15: {  	[smem:$0x3FB3] =	sst s0;
	s0 =	simm.s32 @!p2 $0x0  }
0x16: {  	s3 =	sld [smem:$0x3FDB];
	s0 =	simm.s32 @p2 $0x1  }
0x17: {  	s4 =	simm.s32 $0x1BF5;
	[smem:$0x3FB5] =	sst s0  }
0x18: {  	s0 =	sld [smem:$0x3F98];
	_ =	swait.ge [sflag:s4], $0x0  }
0x19: {  	s7 =	sld [smem:$0x3F99]  }
0x1a: {  	s8 =	sadd.s32 $0xFFFFE003, lr  }
0x1b: {  	s9 =	sadd.s32 $0xFFFFFEF7, lr;
	s5 =	simm.s32 $0xFFFFFFFF;
	p2 =	slt.u32 s8, $0xFFFFF086  }
0x1c: {  	p1 =	slt.u32 s9, $0xF7A;
	s5 =	simm.s32 @!p2 $0x0  }
0x1d: {  	s5 =	simm.s32 @p1 $0x1;
	p0 =	seq.s32 s7, s2  }
0x1e: {  	s7 =	smul.u32 @!p0 $0xF7A, s2;
	p2 =	seq.s32 @!p0 s5, $0x0  }
0x1f: {  	s9 =	smul.u32 $0xF7A, s1;
	s8 =	simm.s32 @!p0 $0x1BF5;
	p2 =	por !p2, p0  }
0x20: {  	[sflag:s8] =	ssyncset.s32 @!p0 $0xFFFFF086;
	s6 =	sadd.s32 @!p0 s3, s7;
	s7 =	simm.s32 @!p0 $0x108  }
0x21: {  	s3 =	sadd.s32 s3, s9;
	s6 =	sadd.s32 @!p0 $0x88, s6;
	s7 =	simm.s32 @p2 $0x1082  }
0x22: {  	[simem:s7], [sflag:s8] =	dma.local @!p0 [hbm:s6], $0xF7A  }
0x23: {  	s9 =	sor.u32 $0xD0000000, s2;
	s6 =	simm.s32 $0x108;
	_ =	swait.ge @!p0 [sflag:s8], $0x0  }
0x24: {  	s3 =	sadd.s32 $0x88, s3;
	s6 =	simm.s32 @!p1 $0x1082;
	[sflag:s4] =	ssyncset.s32 $0xFFFFF086  }
0x25: {  	[simem:s6], [sflag:s4] =	dma.local [hbm:s3], $0xF7A  }
0x26: {  	[smem:$0x3F99] =	sst s1;
	(tag) =	ssettag s2;
	_ =	strace s9  }
0x27: {  	s1 =	sld [smem:$0x3FA9]  }
0x28: {  	s2 =	sld [smem:$0x3FAA]  }
0x29: {  	s4 =	sld [smem:$0x3FAC]  }
0x2a: {  	p0 =	seq.s32 s5, $0x0;
	s5 =	sld [smem:$0x3FAD]  }
0x2b: {  	s6 =	sld [smem:$0x3FAE]  }
0x2c: {  	s7 =	sld [smem:$0x3FAF]  }
0x2d: {  	s3 =	simm.s32 $0x108;
	s8 =	sld [smem:$0x3FB0]  }
0x2e: {  	s3 =	simm.s32 @!p0 $0x1082;
	s9 =	sld [smem:$0x3FB1]  }
0x2f: {  	lr =	sadd.s32 s0, s3;
	s0 =	sld [smem:$0x3FA8]  }
0x30: {  	s3 =	sld [smem:$0x3FAB]  }
0x31: {  	[smem:$0x3FB4] =	sst s10  }
0x32: {  	s10 =	sld [smem:$0x3FB2];
	_ =	sdelay $0x3  }
0x33: {  	p0 =	seq.s32 s10, $0x1;
	s10 =	sld [smem:$0x3FB4];
	_ =	sdelay $0x3  }
0x34: {  	[smem:$0x3FB4] =	sst s10  }
0x35: {  	s10 =	sld [smem:$0x3FB3];
	_ =	sdelay $0x3  }
0x36: {  	p1 =	seq.s32 s10, $0x1;
	s10 =	sld [smem:$0x3FB4];
	_ =	sdelay $0x3  }
0x37: {  	[smem:$0x3FB4] =	sst s10  }
0x38: {  	s10 =	sld [smem:$0x3FB5]  }
0x39: {  	_ = 	snop;
	(pc) =	sbr.ind lr, $3  }
0x3a: {  	_ = 	snop  }
0x3b: {  	_ = 	snop  }
0x3c: {  	p2 =	seq.s32 s10, $0x1;
	s10 =	sld [smem:$0x3FB4]  }
0x3d: {  	_ =	shalt  }
0x3e: {  	_ =	shalt  }
0x3f: {  	_ =	shalt  }
0x40: {  	_ =	shalt  }
0x41: {  	_ =	shalt  }
0x42: {  	_ =	shalt  }
0x43: {  	_ =	shalt  }
0x44: {  	_ =	shalt  }
0x45: {  	_ =	shalt  }
0x46: {  	_ =	shalt  }
0x47: {  	_ =	shalt  }
0x48: {  	_ =	shalt  }
0x49: {  	_ =	shalt  }
0x4a: {  	_ =	shalt  }
0x4b: {  	_ =	shalt  }
0x4c: {  	_ =	shalt  }
0x4d: {  	_ =	shalt  }
0x4e: {  	_ =	shalt  }
0x4f: {  	_ =	shalt  }
0x50: {  	_ =	shalt  }
0x51: {  	_ =	shalt  }
0x52: {  	_ =	shalt  }
0x53: {  	_ =	shalt  }
0x54: {  	_ =	shalt  }
0x55: {  	_ =	shalt  }
0x56: {  	_ =	shalt  }
0x57: {  	_ =	shalt  }
0x58: {  	_ =	shalt  }
0x59: {  	_ =	shalt  }
0x5a: {  	_ =	shalt  }
0x5b: {  	_ =	shalt  }
0x5c: {  	_ =	shalt  }
0x5d: {  	_ =	shalt  }
0x5e: {  	_ =	shalt  }
0x5f: {  	_ =	shalt  }
0x60: {  	_ =	shalt  }
0x61: {  	_ =	shalt  }
0x62: {  	_ =	shalt  }
0x63: {  	_ =	shalt  }
0x64: {  	_ =	shalt  }
0x65: {  	_ =	shalt  }
0x66: {  	_ =	shalt  }
0x67: {  	_ =	shalt  }
0x68: {  	_ =	shalt  }
0x69: {  	_ =	shalt  }
0x6a: {  	_ =	shalt  }
0x6b: {  	_ =	shalt  }
0x6c: {  	_ =	shalt  }
0x6d: {  	_ =	shalt  }
0x6e: {  	_ =	shalt  }
0x6f: {  	_ =	shalt  }
0x70: {  	_ =	shalt  }
0x71: {  	_ =	shalt  }
0x72: {  	_ =	shalt  }
0x73: {  	_ =	shalt  }
0x74: {  	_ =	shalt  }
0x75: {  	_ =	shalt  }
0x76: {  	_ =	shalt  }
0x77: {  	_ =	shalt  }
0x78: {  	_ =	shalt  }
0x79: {  	_ =	shalt  }
0x7a: {  	_ =	shalt  }
0x7b: {  	_ =	shalt  }
0x7c: {  	_ =	shalt  }
0x7d: {  	_ =	shalt  }
0x7e: {  	_ =	shalt  }
0x7f: {  	_ =	shalt  }
0x80: {  	_ =	shalt  }
0x81: {  	_ =	shalt  }
0x82: {  	_ =	shalt  }
0x83: {  	_ =	shalt  }
0x84: {  	_ =	shalt  }
0x85: {  	_ =	shalt  }
0x86: {  	_ =	shalt  }
0x87: {  	_ =	shalt  }
.Lfunc_end0:
.L_simem_size_0:
called_computation_lowered:
.L_overlay_start_0:
0x88: {  	s2 =	sld [smem:$0x3FD9]  }
0x89: {  	s3 =	sld [smem:$0x3FFE];
	_ =	sdelay $0x1  }
0x8a: {  	s1 =	srdreg.scid  }
0x8b: {  	s0 =	sand.u32 $0x1, s1  }
0x8c: {  	s17 =	sshll.u32 s0, $0xA;
	s2 =	sadd.s32 s3, s2  }
0x8d: {  	s2 =	sadd.s32 s2, s17  }
0x8e: {  	[smem:$0x3FC0] =	sst s2  }
0x8f: {  	_ = 	snop  }
0x90: {  	s2 =	sld [smem:$0x3FD0];
	(tm) =	ssettm $0x1  }
0x91: {  	s18 =	sld [smem:$0x3FFB];
	_ =	sdelay $0x3  }
0x92: {  	_ =	strace s18  }
0x93: {  	s3 =	sld [smem:$0x3FFC];
	_ =	sdelay $0x3  }
0x94: {  	_ =	strace s3  }
0x95: {  	s3 =	sld [smem:$0x3FFD];
	_ =	sdelay $0x3  }
0x96: {  	_ =	strace s3  }
0x97: {  	_ =	strace $0x8FFFFFFF  }
0x98: {  	s19 =	sld [smem:$0x3FDB];
	_ =	sdelay $0x1  }
0x99: {  	s4 =	simm.s32 $_scs_section_size  }
0x9a: {  	s5 =	simm.s32 $_size__tile_overlayer_lowered;
	s6 =	simm.s32 $_tile_overlayer_lowered  }
0x9b: {  	s22 =	simm.s32 $0x1BFF;
	s21 =	sshll.u32 s6, $0x1;
	s3 =	sadd.s32 s4, s19  }
0x9c: {  	s7 =	simm.s32 $0x0;
	s20 =	sshll.u32 s5, $0x1;
	s5 =	sadd.s32 s21, s3  }
0x9d: {  	[timem:s7], [sflag:s22] =	dma.local [hbm:s5], s20  }
0x9e: {  	_ =	swait.ge [sflag:s22], s20  }
0x9f: {  	s4 =	ssub.s32 $0x0, s20;
	[sflag:s22] =	ssyncset.done $0x0  }
0xa0: {  	[sflag:s22] =	ssyncadd.s32 s4;
	_ =	sdelay $0x1  }
0xa1: {  	s23 =	simm.s32 $0x1B8B  }
0xa2: {  	_ =	swait.ge [sflag:s23], $0x1  }
0xa3: {  	[sflag:s23] =	ssyncset.done $0x0  }
0xa4: {  	s25 =	simm.s32 $0x1B8E;
	s24 =	sld [smem:$0x3FFE];
	[sflag:s23] =	ssyncadd.s32 $0xFFFFFFFF  }
0xa5: {  	s26 =	simm.s32 $execute0_lowered;
	[smem:$0x3FD2] =	sst s25  }
0xa6: {  	s5 =	sshll.u32 s26, $0x1;
	_ =	strace $0x80000046;
	[dreg:$0x1] =	wrdreg $0xFFFFFFFF  }
0xa7: {  	s28 =	simm.s32 $_size_execute0_lowered;
	s3 =	sadd.s32 s3, s5;
	[dreg:$0x0] =	wrdreg $0x0  }
0xa8: {  	s5 =	sshll.u32 s28, $0x1;
	[dreg:$0x2] =	wrdreg s3  }
0xa9: {  	[dreg:$0x3] =	wrdreg s5  }
0xaa: {  	[dreg:$0x4] =	wrdreg $0xC0  }
0xab: {  	_ =	task [dreg:s7], $0x5FFFF  }
0xac: {  	[dreg:$0x1] =	wrdreg $0xFFFFFFFF  }
0xad: {  	[dreg:$0x0] =	wrdreg $0x60  }
0xae: {  	[dreg:$0x2] =	wrdreg s24  }
0xaf: {  	[dreg:$0x3] =	wrdreg s2  }
0xb0: {  	[dreg:$0x4] =	wrdreg $0x44000  }
0xb1: {  	[dreg:$0x5] =	wrdreg $0x184000  }
0xb2: {  	[dreg:$0x6] =	wrdreg $0x9  }
0xb3: {  	_ =	task.clear_ibuf [dreg:s7], $0x7FFFF;
	_ =	strace $0x90000046  }
0xb4: {  	s29 =	simm.s32 $0x9;
	_ =	strace $0x80000048  }
0xb5: {  	_ =	swait.ge [sflag:s29], $0x1  }
0xb6: {  	[sflag:s29] =	ssyncadd.s32 $0xFFFFFFFF  }
0xb7: {  	_ =	strace $0x90000048  }
0xb8: {  	_ =	sfence  }
0xb9: {  	s30 =	sld [smem:$0x0];
	_ =	sdelay $0x2  }
0xba: {  	s31 =	sshll.u32 s1, $0xD;
	s1 =	sshrl.u32 s1, $0x2  }
0xbb: {  	s3 =	sand.u32 $0x4000, s31;
	s1 =	sadd.s32 s1, s30  }
0xbc: {  	s0 =	sor.u32 s3, s0;
	s1 =	sshll.u32 s1, $0x11  }
0xbd: {  	s0 =	sor.u32 s1, s0  }
0xbe: {  	s0 =	sadd.s32 $0x8F2B, s0  }
0xbf: {  	[sflag:s0] =	ssyncadd.remote.s32 $0x1  }
0xc0: {  	_ =	sfence.sel $0xFFFF  }
0xc1: {  	[dreg:$0x0] =	wrdreg $0xFFFFFFFF;
	(pc) =	sbr.abs _section_cstart, $3  }
0xc2: {  	[dreg:$0x1] =	wrdreg $0xFFFFFFFF  }
0xc3: {  	_ =	task.clear_ibuf [dreg:s7], $0x2FFFF;
	_ =	strace $0x9FFFFFFF  }
0xc4: {  	(tm) =	ssettm $0x7FFFFFFF  }
0xc5: {  	_ =	shalt  }
tec
execute0_lowered:
.L_overlay_start_1:
0x0: {  	(tag) =	ssettag $0x1  }
0x1: {  	s6 =	rddreg [dreg:$0x0]  }
0x2: {  	s15 =	rddreg [dreg:$0x1]  }
0x3: {  	s1 =	rddreg [dreg:$0x2]  }
0x4: {  	s2 =	rddreg [dreg:$0x3]  }
0x5: {  	s0 =	rddreg [dreg:$0x4];
	s3 =	simm.s32 $0x0;
	s4 =	srdreg.scid  }
0x6: {  	[smem:$0x7FF] =	sst s3;
	s12 =	sand.u32 $0x1, s4  }
0x7: {  	s4 =	stileid.u32;
	s16 =	smul.u32 $0x4F00, s12  }
0x8: {  	s5 =	sadd.s32 $0xD000, s6;
	s13 =	sadd.s32 $0x5DC00, s6;
	s7 =	smul.u32 $0x50000, s4  }
0x9: {  	s14 =	sadd.s32 $0x85C00, s6;
	s18 =	sadd.s32 $0x5D000, s6;
	s21 =	smul.u32 $0x280, s4  }
0xa: {  	s19 =	sadd.s32 $0x5D600, s6;
	_ =	strace $0x80000047;
	s22 =	smul.u32 $0x2800, s4  }
0xb: {  	s8 =	ssub.s32 $0x2, s12;
	p0 =	seq.s32 s12, $0x1;
	s23 =	smul.u32 $0x4F0, s4  }
0xc: {  	s9 =	sshrl.u32 s8, $0x1;
	s13 =	smov.u32 @p0 s14;
	s18 =	smov.u32 @p0 s19  }
0xd: {  	s19 =	simm.s32 $0x4180;
	s17 =	sadd.s32 s16, s6;
	s7 =	sshrl.u32 s7, $0x2  }
0xe: {  	s20 =	ssub.s32 s8, s9;
	s11 =	sadd.s32 s21, s2;
	s21 =	sshrl.u32 s21, $0x3  }
0xf: {  	s13 =	sadd.s32 s13, s22;
	s16 =	sadd.s32 s16, s15;
	s22 =	simm.s32 $0x4100  }
0x10: {  	s6 =	sadd.s32 s7, s1;
	s12 =	smax.u32 s20, $0x1;
	s14 =	sadd.s32 s18, s21  }
0x11: {  	s17 =	sadd.s32 s23, s17;
	s16 =	sadd.s32 s23, s16;
	s18 =	simm.s32 $0x2  }
0x12: {  	s20 =	simm.s32 $0x80;
	s21 =	simm.s32 $0x1;
	s23 =	simm.s32 $0x0  }
0x13: {  	s7 =	sadd.s32 $0x4000, s6;
	s8 =	sadd.s32 $0x8000, s6;
	s9 =	sadd.s32 $0xC000, s6  }
0x14: {  	v0 =	vimm.f32 $0.0e+00;
	v1 =	vimm.f32 $1.000000000e+00;
	s10 =	sadd.s32 $0x10000, s6;
	s15 =	sadd.s32 $0x3200, s17;
	s17 =	simm.s32 $0x100  }
.LBB2_1:
0x15: {  	s24 =	sand.u32 $0xFE00, s3  }
0x16: {  	s25 =	sand.u32 $0x70, s3;
	s26 =	sshrl.u32 s24, $0x2  }
0x17: {  	s24 =	simm.s32 $0x40;
	s26 =	sor.u32 s25, s26;
	s25 =	simm.s32 $0x0  }
.LBB2_2:
0x18: {  	p0 =	sne.s32 s24, $0xFFC0  }
0x19: {  	[tilespmem:s26+$0x100] =	vst v0;
	s25 =	sadd.s32 $0x10, s25;
	s26 =	smov.u32 s24;
	s24 =	sadd.s32 $0x40, s24  }
.Ltmp0:
0x1a: {  	(pc) =	sbr.rel @p0 .LBB2_2-.Ltmp0, $4  }
0x1b: {  	_ = 	snop  }
0x1c: {  	s26 =	sand.u32 $0xFE00, s26  }
0x1d: {  	s28 =	sand.u32 $0x70, s25;
	s26 =	sshrl.u32 s26, $0x2  }
0x1e: {  	s26 =	sor.u32 s28, s26  }
0x1f: {  	[tilespmem:s26+$0x100] =	vst v0  }
0x20: {  	[tilespmem:$0x4100] =	vst v1  }
0x21: {  	[tilespmem:$0x4110] =	vst v1  }
0x22: {  	[tilespmem:$0x4120] =	vst v1  }
0x23: {  	[tilespmem:$0x4130] =	vst v1  }
0x24: {  	[tilespmem:$0x4140] =	vst v1  }
0x25: {  	[tilespmem:$0x4150] =	vst v1  }
0x26: {  	[tilespmem:$0x4160] =	vst v1  }
0x27: {  	[tilespmem:$0x4170] =	vst v1  }
0x28: {  	[tilespmem:$0x4180] =	vst v0  }
0x29: {  	[tilespmem:$0x4190] =	vst v0  }
0x2a: {  	[tilespmem:$0x41A0] =	vst v0  }
0x2b: {  	[tilespmem:$0x41B0] =	vst v0  }
0x2c: {  	[tilespmem:$0x41C0] =	vst v0  }
0x2d: {  	[tilespmem:$0x41D0] =	vst v0  }
0x2e: {  	[tilespmem:$0x41E0] =	vst v0  }
0x2f: {  	[tilespmem:$0x41F0] =	vst v0  }
0x30: {  	[tilespmem:$0x4200] =	vst v0  }
0x31: {  	[tilespmem:$0x4210] =	vst v0  }
0x32: {  	[tilespmem:$0x4220] =	vst v0  }
0x33: {  	[tilespmem:$0x4230] =	vst v0  }
0x34: {  	[tilespmem:$0x4240] =	vst v0  }
0x35: {  	[tilespmem:$0x4250] =	vst v0  }
0x36: {  	[tilespmem:$0x4260] =	vst v0  }
0x37: {  	[tilespmem:$0x4270] =	vst v0  }
0x38: {  	[tilespmem:$0x4280] =	vst v0  }
0x39: {  	[tilespmem:$0x4290] =	vst v0  }
0x3a: {  	[tilespmem:$0x42A0] =	vst v0  }
0x3b: {  	[tilespmem:$0x42B0] =	vst v0  }
0x3c: {  	[tilespmem:$0x42C0] =	vst v0  }
0x3d: {  	[tilespmem:$0x42D0] =	vst v0  }
0x3e: {  	[tilespmem:$0x42E0] =	vst v0  }
0x3f: {  	[tilespmem:$0x42F0] =	vst v0  }
0x40: {  	[tilespmem:$0x4300] =	vst v0  }
0x41: {  	[tilespmem:$0x4310] =	vst v0  }
0x42: {  	[tilespmem:$0x4320] =	vst v0  }
0x43: {  	[tilespmem:$0x4330] =	vst v0  }
0x44: {  	[tilespmem:$0x4340] =	vst v0  }
0x45: {  	[tilespmem:$0x4350] =	vst v0  }
0x46: {  	[tilespmem:$0x4360] =	vst v0  }
0x47: {  	[tilespmem:$0x4370] =	vst v0  }
0x48: {  	[tilespmem:$0x4380] =	vst v0  }
0x49: {  	[tilespmem:$0x4390] =	vst v0  }
0x4a: {  	[tilespmem:$0x43A0] =	vst v0  }
0x4b: {  	[tilespmem:$0x43B0] =	vst v0  }
0x4c: {  	[tilespmem:$0x43C0] =	vst v0  }
0x4d: {  	[tilespmem:$0x43D0] =	vst v0  }
0x4e: {  	[tilespmem:$0x43E0] =	vst v0  }
0x4f: {  	[tilespmem:$0x43F0] =	vst v0  }
0x50: {  	[spmem:s6] =	stream.linear.scatter [tilespmem:s17], [sflag:$0x2], $0x4000, $0x38;
	[tilespmem:$0x18680] =	vst v63  }
0x51: {  	_ =	swait.ge [sflag:s18], $0x4000  }
0x52: {  	[sflag:s18] =	ssyncset.done $0x0  }
0x53: {  	[sflag:s18] =	ssyncadd.s32 $0xFFFFC000  }
0x54: {  	[spmem:s7] =	stream.linear.scatter [tilespmem:s17], [sflag:$0x2], $0x4000, $0x38;
	[tilespmem:$0x18680] =	vst v63  }
0x55: {  	_ =	swait.ge [sflag:s18], $0x4000  }
0x56: {  	[sflag:s18] =	ssyncset.done $0x0  }
0x57: {  	[sflag:s18] =	ssyncadd.s32 $0xFFFFC000  }
0x58: {  	[spmem:s8] =	stream.linear.scatter [tilespmem:s17], [sflag:$0x2], $0x4000, $0x38;
	[tilespmem:$0x18680] =	vst v63  }
0x59: {  	_ =	swait.ge [sflag:s18], $0x4000  }
0x5a: {  	[sflag:s18] =	ssyncset.done $0x0  }
0x5b: {  	[sflag:s18] =	ssyncadd.s32 $0xFFFFC000  }
0x5c: {  	[spmem:s9] =	stream.linear.scatter [tilespmem:s17], [sflag:$0x2], $0x4000, $0x38;
	[tilespmem:$0x18680] =	vst v63  }
0x5d: {  	_ =	swait.ge [sflag:s18], $0x4000  }
0x5e: {  	[sflag:s18] =	ssyncset.done $0x0  }
0x5f: {  	[sflag:s18] =	ssyncadd.s32 $0xFFFFC000  }
0x60: {  	[spmem:s10] =	stream.linear.scatter [tilespmem:s17], [sflag:$0x2], $0x4000, $0x38;
	[tilespmem:$0x18680] =	vst v63  }
0x61: {  	_ =	swait.ge [sflag:s18], $0x4000  }
0x62: {  	[sflag:s18] =	ssyncset.done $0x0  }
0x63: {  	[sflag:s18] =	ssyncadd.s32 $0xFFFFC000  }
0x64: {  	[spmem:s11] =	stream.linear.scatter [tilespmem:s19], [sflag:$0x2], $0x280, $0x38;
	[tilespmem:$0x18680] =	vst v63  }
0x65: {  	_ =	swait.ge [sflag:s18], $0x280  }
0x66: {  	[sflag:s18] =	ssyncset.done $0x0  }
0x67: {  	[sflag:s18] =	ssyncadd.s32 $0xFFFFFD80  }
0x68: {  	s24 =	sadd.s32 $0x0, s16;
	[bflag:$0x0] =	sbarrier.arrive $0xFFFF  }
0x69: {  	[tilespmem:s3], [sflag:$0x2] =	stream.linear.gather [hbm4b:s24+s3], $0x80, $0x38;
	[tilespmem:$0x18680] =	vst v63  }
0x6a: {  	_ =	swait.ge [sflag:s18], $0x80  }
0x6b: {  	[sflag:s18] =	ssyncset.done $0x0  }
0x6c: {  	s31 =	sadd.s32 $0x0, s15;
	[sflag:s18] =	ssyncadd.s32 $0xFFFFFF80  }
0x6d: {  	[tilespmem:s20], [sflag:$0x2] =	stream.linear.gather [hbm4b:s31+s3], $0x80, $0x38;
	[tilespmem:$0x18680] =	vst v63  }
0x6e: {  	_ =	swait.ge [sflag:s18], $0x80  }
0x6f: {  	[sflag:s18] =	ssyncset.done $0x0  }
0x70: {  	[sflag:s18] =	ssyncadd.s32 $0xFFFFFF80  }
0x71: {  	[tilespmem:s17], [sflag:$0x1] =	stream.indirect.gather [hbm4b:s5+s20], $0x80, s3, s20, $0xb8;
	[tilespmem:$0x18680] =	vst v63  }
0x72: {  	_ =	swait.ge [sflag:s21], $0x4000  }
0x73: {  	[sflag:s21] =	ssyncset.done $0x0  }
0x74: {  	[sflag:s21] =	ssyncadd.s32 $0xFFFFC000  }
0x75: {  	[spmem:s1] =	stream.indirect.scatter.add.f32 [tilespmem:s17], [sflag:$0x2], $0x80, s20, s20, $0xb8;
	[tilespmem:$0x18680] =	vst v63  }
0x76: {  	_ =	swait.ge [sflag:s18], $0x4000  }
0x77: {  	[sflag:s18] =	ssyncset.done $0x0  }
0x78: {  	[sflag:s18] =	ssyncadd.s32 $0xFFFFC000  }
0x79: {  	[spmem:s2] =	stream.indirect.scatter.add.f32 [tilespmem:s22], [sflag:$0x2], $0x1, s20, s20, $0xb8;
	[tilespmem:$0x18680] =	vst v63  }
0x7a: {  	_ =	swait.ge [sflag:s18], $0x80  }
0x7b: {  	s25 =	simm.s32 $0x20;
	s24 =	simm.s32 $0x10;
	[sflag:s18] =	ssyncset.done $0x0  }
.LBB2_4:
0x7c: {  	s26 =	sadd.s32 s24, s16  }
0x7d: {  	[sflag:s18] =	ssyncadd.s32 $0xFFFFFF80;
	s28 =	smov.u32 s25;
	s29 =	sadd.s32 $0x10, s25  }
0x7e: {  	[tilespmem:s3], [sflag:$0x2] =	stream.linear.gather [hbm4b:s26+s3], $0x80, $0x38;
	[tilespmem:$0x18680] =	vst v63  }
0x7f: {  	p0 =	sne.s32 s25, $0x4E0;
	_ =	swait.ge [sflag:s18], $0x80  }
0x80: {  	[sflag:s18] =	ssyncset.done $0x0  }
0x81: {  	s25 =	sadd.s32 s24, s15;
	s24 =	smov.u32 s28;
	[sflag:s18] =	ssyncadd.s32 $0xFFFFFF80  }
0x82: {  	[tilespmem:s20], [sflag:$0x2] =	stream.linear.gather [hbm4b:s25+s3], $0x80, $0x38;
	[tilespmem:$0x18680] =	vst v63  }
0x83: {  	_ =	swait.ge [sflag:s18], $0x80  }
0x84: {  	[sflag:s18] =	ssyncset.done $0x0  }
0x85: {  	[sflag:s18] =	ssyncadd.s32 $0xFFFFFF80  }
0x86: {  	[tilespmem:s17], [sflag:$0x1] =	stream.indirect.gather [hbm4b:s5+s20], $0x80, s3, s20, $0xb8;
	[tilespmem:$0x18680] =	vst v63  }
0x87: {  	_ =	swait.ge [sflag:s21], $0x4000  }
0x88: {  	[sflag:s21] =	ssyncset.done $0x0  }
0x89: {  	[sflag:s21] =	ssyncadd.s32 $0xFFFFC000  }
0x8a: {  	[spmem:s1] =	stream.indirect.scatter.add.f32 [tilespmem:s17], [sflag:$0x2], $0x80, s20, s20, $0xb8;
	[tilespmem:$0x18680] =	vst v63  }
0x8b: {  	_ =	swait.ge [sflag:s18], $0x4000  }
.Ltmp1:
0x8c: {  	[sflag:s18] =	ssyncset.done $0x0;
	(pc) =	sbr.rel @p0 .LBB2_4-.Ltmp1, $4  }
0x8d: {  	[sflag:s18] =	ssyncadd.s32 $0xFFFFC000  }
0x8e: {  	[spmem:s2] =	stream.indirect.scatter.add.f32 [tilespmem:s22], [sflag:$0x2], $0x1, s20, s20, $0xb8;
	[tilespmem:$0x18680] =	vst v63  }
0x8f: {  	_ =	swait.ge [sflag:s18], $0x80  }
0x90: {  	s25 =	smov.u32 s29;
	[sflag:s18] =	ssyncset.done $0x0  }
0x91: {  	s25 =	sadd.s32 s24, s16;
	[sflag:s18] =	ssyncadd.s32 $0xFFFFFF80  }
0x92: {  	[tilespmem:s3], [sflag:$0x2] =	stream.linear.gather [hbm4b:s25+s3], $0x80, $0x38;
	[tilespmem:$0x18680] =	vst v63  }
0x93: {  	_ =	swait.ge [sflag:s18], $0x80  }
0x94: {  	[sflag:s18] =	ssyncset.done $0x0  }
0x95: {  	s28 =	sadd.s32 s24, s15;
	[sflag:s18] =	ssyncadd.s32 $0xFFFFFF80  }
0x96: {  	[tilespmem:s20], [sflag:$0x2] =	stream.linear.gather [hbm4b:s28+s3], $0x80, $0x38;
	[tilespmem:$0x18680] =	vst v63  }
0x97: {  	_ =	swait.ge [sflag:s18], $0x80  }
0x98: {  	[sflag:s18] =	ssyncset.done $0x0  }
0x99: {  	[sflag:s18] =	ssyncadd.s32 $0xFFFFFF80  }
0x9a: {  	[tilespmem:s17], [sflag:$0x1] =	stream.indirect.gather [hbm4b:s5+s20], $0x80, s3, s20, $0xb8;
	[tilespmem:$0x18680] =	vst v63  }
0x9b: {  	_ =	swait.ge [sflag:s21], $0x4000  }
0x9c: {  	[sflag:s21] =	ssyncset.done $0x0  }
0x9d: {  	[sflag:s21] =	ssyncadd.s32 $0xFFFFC000  }
0x9e: {  	[spmem:s1] =	stream.indirect.scatter.add.f32 [tilespmem:s17], [sflag:$0x2], $0x80, s20, s20, $0xb8;
	[tilespmem:$0x18680] =	vst v63  }
0x9f: {  	_ =	swait.ge [sflag:s18], $0x4000  }
0xa0: {  	[sflag:s18] =	ssyncset.done $0x0  }
0xa1: {  	[sflag:s18] =	ssyncadd.s32 $0xFFFFC000  }
0xa2: {  	[spmem:s2] =	stream.indirect.scatter.add.f32 [tilespmem:s22], [sflag:$0x2], $0x1, s20, s20, $0xb8;
	[tilespmem:$0x18680] =	vst v63  }
0xa3: {  	_ =	swait.ge [sflag:s18], $0x80  }
0xa4: {  	[sflag:s18] =	ssyncset.done $0x0  }
0xa5: {  	s29 =	sshll.u32 s4, $0x6;
	[sflag:s18] =	ssyncadd.s32 $0xFFFFFF80  }
0xa6: {  	s30 =	sshrl.u32 s6, $0x3;
	s24 =	sor.u32 $0x1C02, s29;
	[bflag:$0x0] =	sbarrier.arrive $0xFFFF  }
0xa7: {  	[hbm:s13], [sflag:s24] =	dma.local [spmem:s30], $0x2800  }
0xa8: {  	s23 =	sadd.s32 $0x1, s23;
	_ =	swait.ge [sflag:s18], $0x2800  }
0xa9: {  	p0 =	sne.s32 s23, s12;
	[sflag:s18] =	ssyncset.done $0x0  }
.Ltmp2:
0xaa: {  	s31 =	sshrl.u32 s11, $0x3;
	[sflag:s18] =	ssyncadd.s32 $0xFFFFD800;
	(pc) =	sbr.rel @p0 .LBB2_1-.Ltmp2, $4  }
0xab: {  	[hbm:s14], [sflag:s24] =	dma.local [spmem:s31], $0x50  }
0xac: {  	_ =	swait.ge [sflag:s18], $0x50  }
0xad: {  	[sflag:s18] =	ssyncset.done $0x0  }
0xae: {  	[sflag:s18] =	ssyncadd.s32 $0xFFFFFFB0  }
0xaf: {  	_ =	sfence.sel $0x180000  }
0xb0: {  	[bflag:$0x0] =	sbarrier.arrive $0xFFFF  }
0xb1: {  	p0 =	sne.s32 s4, $0x0;
	_ =	strace $0x90000047  }
0xb2: {  	s0 =	sadd.s32 @!p0 $0x100000, s0;
	[bflag:$0x2] =	sbarrier.arrive $0xFFFF  }
0xb3: {  	[sflag:s0] =	ssyncadd.tile.s32 @!p0 $0x1;
	_ =	shalt  }
.Lfunc_end2:
_tile_overlayer_lowered:
.L_overlay_start_2:
0xb4: {  	(tag) =	ssettag $0x2  }
0xb5: {  	s0 =	rddreg [dreg:$0x0];
	s2 =	stileid.u32  }
0xb6: {  	s1 =	rddreg [dreg:$0x1];
	p0 =	sne.s32 s2, $0x0  }
0xb7: {  	s3 =	rddreg [dreg:$0x2];
	[bflag:$0x3] =	sbarrier.arrive $0xFFFF;
	s2 =	simm.s32 @!p0 $0x1C02  }
0xb8: {  	[timem:s3], [sflag:s2] =	dma.local @!p0 [hbm:s0], s1  }
0xb9: {  	s0 =	simm.s32 @!p0 $0x2  }
0xba: {  	_ =	swait.ge @!p0 [sflag:s0], s1  }
0xbb: {  	s1 =	ssub.s32 @!p0 $0x0, s1;
	[sflag:s0] =	ssyncset.done @!p0 $0x0  }
0xbc: {  	[sflag:s0] =	ssyncadd.s32 @!p0 s1  }
0xbd: {  	[bflag:$0x3] =	sbarrier.arrive $0xFFFF  }
0xbe: {  	_ =	shalt  }

</sc_bundles>
